<compile_context>
chip_gen: v7x
topology: tpu7x:2x2x1
jax: 0.10.2.dev20260603
libtpu: 0.0.44.dev20260713+nightly
codegen_flags: <defaults>
</compile_context>

<pallas_src>
import functools

import jax
import jax.numpy as jnp
from jax import lax
from jax.experimental import pallas as pl
from jax.experimental.pallas import tpu as pltpu
from jax.experimental.pallas import tpu_sc as plsc

F = 26
V = 1_000_000
VALIGN = 999_936
B = 16384
NC = 2
NS = 16
NW = NC * NS
BPW = B // NW
N = BPW * F
LANES = 16
NCH = BPW // LANES

_mesh = plsc.VectorSubcoreMesh(core_axis_name="c", subcore_axis_name="s")


@functools.partial(
    pl.kernel,
    out_type=jax.ShapeDtypeStruct((B,), jnp.float32),
    mesh=_mesh,
    compiler_params=pltpu.CompilerParams(
        needs_layout_passes=False, use_tc_tiling_on_sc=True
    ),
    scratch_types=[
        pltpu.VMEM((N,), jnp.int32),
        pltpu.VMEM((N,), jnp.float32),
        pltpu.VMEM((BPW,), jnp.float32),
        pltpu.SemaphoreType.DMA,
        pltpu.SemaphoreType.DMA,
    ],
)
def _linear_logits_sc(x_hbm, w_hbm, out_hbm, idxs, vals, accv, sem, xsem):
    wid = lax.axis_index("s") * NC + lax.axis_index("c")
    base = wid * BPW

    idx_copies = [
        pltpu.async_copy(
            x_hbm.at[f, pl.ds(base, BPW)],
            idxs.at[pl.ds(f * BPW, BPW)],
            xsem,
        )
        for f in range(F)
    ]
    copies = []
    for f in range(F):
        seg = pl.ds(f * BPW, BPW)
        idx_copies[f].wait()
        copies.append(
            pltpu.async_copy(
                w_hbm.at[f, 0, pl.ds(0, VALIGN)].at[idxs.at[seg]],
                vals.at[seg],
                sem,
            )
        )
    HALF = 13
    for c in copies[:HALF]:
        c.wait()

    def _reduce_lo(j, _):
        acc = vals[pl.ds(j * LANES, LANES)]
        for f in range(1, HALF):
            acc = acc + vals[pl.ds(f * BPW + j * LANES, LANES)]
        accv[pl.ds(j * LANES, LANES)] = acc
        return 0

    lax.fori_loop(0, NCH, _reduce_lo, 0)

    for c in copies[HALF:]:
        c.wait()

    def _reduce_hi(j, _):
        acc = accv[pl.ds(j * LANES, LANES)]
        for f in range(HALF, F):
            acc = acc + vals[pl.ds(f * BPW + j * LANES, LANES)]
        accv[pl.ds(j * LANES, LANES)] = acc
        return 0

    lax.fori_loop(0, NCH, _reduce_hi, 0)

    pltpu.sync_copy(accv, out_hbm.at[pl.ds(base, BPW)])


def kernel(X, W):
    w_view = jnp.transpose(W, (0, 2, 1))
    x_view = X.T
    out = _linear_logits_sc(x_view, w_view)
    return out.reshape(B, 1)

# --- scband reference (transcript-rebuilt; emitter-appended) ---
"""Pipeline reference for scband-linear-logits-43550968381476 (READ-ONLY COPY).

The authoritative reference and input builder live on the scoring server;
editing this copy changes nothing except your own understanding.
"""

import jax, jax.numpy as jnp
import numpy as np

NUM_FIELDS = 26
VOCAB = 1000000
BATCH = 16384


def setup_inputs(seed: int = 0) -> dict:
    key = jax.random.key(seed)
    kx, kw = jax.random.split(key)
    # X holds one sparse index per field per row (torch code slices columns and casts .long())
    X = jax.random.randint(kx, (BATCH, NUM_FIELDS), 0, VOCAB, dtype=jnp.int32)
    # Stacked linear embedding tables: one [VOCAB, 1] table per sparse feature,
    # initialized Normal(0, 0.0001) as in create_embedding_matrix(linear=True).
    W = jax.random.normal(kw, (NUM_FIELDS, VOCAB, 1), dtype=jnp.float32) * 0.0001
    return {"X": X, "W": W}


def reference(X, W):
    # embedding_lookup: per feature f, gather W[f][X[:, f]] -> [B, 1, 1] each;
    # LinearLogits sums the per-feature linear terms into a single logit.
    field_ids = jnp.arange(NUM_FIELDS, dtype=jnp.int32)[None, :]  # [1, F]
    vals = W[field_ids, X, 0]  # gather -> [B, F]
    linear_logit = jnp.sum(vals, axis=1, keepdims=True)  # [B, 1]
    return linear_logit

if __name__ == "__main__":
    import jax
    _d = setup_inputs()
    print(jax.jit(kernel)(*tuple(_d.values())))

</pallas_src>

<mosaic_0001>
#map = affine_map<(d0, d1) -> (0, 0)>
#map1 = affine_map<(d0, d1) -> (0, 0, 0)>
#map2 = affine_map<(d0, d1) -> (0)>
module attributes {stable_mosaic.version = 14 : i64} {
  func.func @_linear_logits_sc(%arg0: i32, %arg1: i32, %arg2: memref<26x16384xi32, #tpu.memory_space<hbm>>, %arg3: memref<26x1x1000000xf32, #tpu.memory_space<hbm>>, %arg4: memref<16384xf32, #tpu.memory_space<hbm>>, %arg5: memref<13312xi32, #tpu.memory_space<vmem>>, %arg6: memref<13312xf32, #tpu.memory_space<vmem>>, %arg7: memref<512xf32, #tpu.memory_space<vmem>>, %arg8: memref<!tpu.dma_semaphore, #tpu.memory_space<semaphore_mem>>, %arg9: memref<!tpu.dma_semaphore, #tpu.memory_space<semaphore_mem>>) attributes {dimension_semantics = [#tpu.dimension_semantics<core_parallel>, #tpu.dimension_semantics<subcore_parallel>], iteration_bounds = array<i64: 2, 16>, scalar_prefetch = 0 : i64, scratch_operands = 5 : i64, tpu.core_type = #tpu.core_type<sc_vector_subcore>, window_params = [{transform_indices = #map}, {transform_indices = #map1}, {transform_indices = #map2}]} {
    %mul3A = arith.constant 2 : i32
    %mul3A_0 = arith.muli %arg1, %mul3A : i32
    %add3A = arith.addi %mul3A_0, %arg0 : i32
    %mul3A_1 = arith.constant 512 : i32
    %mul3A_2 = arith.muli %add3A, %mul3A_1 : i32
    %dma_start3A = arith.constant 0 : i32
    %dma_start3A_3 = arith.constant 0 : i32
    %dma_start3A_4 = tpu.memref_slice %arg5[%dma_start3A_3] : memref<13312xi32, #tpu.memory_space<vmem>> -> memref<512xi32, #tpu.memory_space<vmem>>
    %dma_start3A_5 = tpu.memref_slice %arg2[%dma_start3A, %mul3A_2] : memref<26x16384xi32, #tpu.memory_space<hbm>> -> memref<1x512xi32, #tpu.memory_space<hbm>>
    %dma_start3A_6 = tpu.memref_squeeze %dma_start3A_5 : memref<1x512xi32, #tpu.memory_space<hbm>> -> memref<512xi32, #tpu.memory_space<hbm>>
    %dma_start3A_7 = arith.constant 0 : i32
    %dma_start3A_8 = tpu.memref_slice %arg5[%dma_start3A_7] : memref<13312xi32, #tpu.memory_space<vmem>> -> memref<512xi32, #tpu.memory_space<vmem>>
    %dma_start3A_9 = tpu.memref_slice %arg2[%dma_start3A, %mul3A_2] : memref<26x16384xi32, #tpu.memory_space<hbm>> -> memref<1x512xi32, #tpu.memory_space<hbm>>
    %dma_start3A_10 = tpu.memref_squeeze %dma_start3A_9 : memref<1x512xi32, #tpu.memory_space<hbm>> -> memref<512xi32, #tpu.memory_space<hbm>>
    tpu.enqueue_dma source(%dma_start3A_10 : memref<512xi32, #tpu.memory_space<hbm>>) target(%dma_start3A_8 : memref<512xi32, #tpu.memory_space<vmem>>) target_semaphore(%arg9 : memref<!tpu.dma_semaphore, #tpu.memory_space<semaphore_mem>>)
    %dma_start3A_11 = arith.constant 1 : i32
    %dma_start3A_12 = arith.constant 512 : i32
    %dma_start3A_13 = tpu.memref_slice %arg5[%dma_start3A_12] : memref<13312xi32, #tpu.memory_space<vmem>> -> memref<512xi32, #tpu.memory_space<vmem>>
    %dma_start3A_14 = tpu.memref_slice %arg2[%dma_start3A_11, %mul3A_2] : memref<26x16384xi32, #tpu.memory_space<hbm>> -> memref<1x512xi32, #tpu.memory_space<hbm>>
    %dma_start3A_15 = tpu.memref_squeeze %dma_start3A_14 : memref<1x512xi32, #tpu.memory_space<hbm>> -> memref<512xi32, #tpu.memory_space<hbm>>
    %dma_start3A_16 = arith.constant 512 : i32
    %dma_start3A_17 = tpu.memref_slice %arg5[%dma_start3A_16] : memref<13312xi32, #tpu.memory_space<vmem>> -> memref<512xi32, #tpu.memory_space<vmem>>
    %dma_start3A_18 = tpu.memref_slice %arg2[%dma_start3A_11, %mul3A_2] : memref<26x16384xi32, #tpu.memory_space<hbm>> -> memref<1x512xi32, #tpu.memory_space<hbm>>
    %dma_start3A_19 = tpu.memref_squeeze %dma_start3A_18 : memref<1x512xi32, #tpu.memory_space<hbm>> -> memref<512xi32, #tpu.memory_space<hbm>>
    tpu.enqueue_dma source(%dma_start3A_19 : memref<512xi32, #tpu.memory_space<hbm>>) target(%dma_start3A_17 : memref<512xi32, #tpu.memory_space<vmem>>) target_semaphore(%arg9 : memref<!tpu.dma_semaphore, #tpu.memory_space<semaphore_mem>>)
    %dma_start3A_20 = arith.constant 2 : i32
    %dma_start3A_21 = arith.constant 1024 : i32
    %dma_start3A_22 = tpu.memref_slice %arg5[%dma_start3A_21] : memref<13312xi32, #tpu.memory_space<vmem>> -> memref<512xi32, #tpu.memory_space<vmem>>
    %dma_start3A_23 = tpu.memref_slice %arg2[%dma_start3A_20, %mul3A_2] : memref<26x16384xi32, #tpu.memory_space<hbm>> -> memref<1x512xi32, #tpu.memory_space<hbm>>
    %dma_start3A_24 = tpu.memref_squeeze %dma_start3A_23 : memref<1x512xi32, #tpu.memory_space<hbm>> -> memref<512xi32, #tpu.memory_space<hbm>>
    %dma_start3A_25 = arith.constant 1024 : i32
    %dma_start3A_26 = tpu.memref_slice %arg5[%dma_start3A_25] : memref<13312xi32, #tpu.memory_space<vmem>> -> memref<512xi32, #tpu.memory_space<vmem>>
    %dma_start3A_27 = tpu.memref_slice %arg2[%dma_start3A_20, %mul3A_2] : memref<26x16384xi32, #tpu.memory_space<hbm>> -> memref<1x512xi32, #tpu.memory_space<hbm>>
    %dma_start3A_28 = tpu.memref_squeeze %dma_start3A_27 : memref<1x512xi32, #tpu.memory_space<hbm>> -> memref<512xi32, #tpu.memory_space<hbm>>
    tpu.enqueue_dma source(%dma_start3A_28 : memref<512xi32, #tpu.memory_space<hbm>>) target(%dma_start3A_26 : memref<512xi32, #tpu.memory_space<vmem>>) target_semaphore(%arg9 : memref<!tpu.dma_semaphore, #tpu.memory_space<semaphore_mem>>)
    %dma_start3A_29 = arith.constant 3 : i32
    %dma_start3A_30 = arith.constant 1536 : i32
    %dma_start3A_31 = tpu.memref_slice %arg5[%dma_start3A_30] : memref<13312xi32, #tpu.memory_space<vmem>> -> memref<512xi32, #tpu.memory_space<vmem>>
    %dma_start3A_32 = tpu.memref_slice %arg2[%dma_start3A_29, %mul3A_2] : memref<26x16384xi32, #tpu.memory_space<hbm>> -> memref<1x512xi32, #tpu.memory_space<hbm>>
    %dma_start3A_33 = tpu.memref_squeeze %dma_start3A_32 : memref<1x512xi32, #tpu.memory_space<hbm>> -> memref<512xi32, #tpu.memory_space<hbm>>
    %dma_start3A_34 = arith.constant 1536 : i32
    %dma_start3A_35 = tpu.memref_slice %arg5[%dma_start3A_34] : memref<13312xi32, #tpu.memory_space<vmem>> -> memref<512xi32, #tpu.memory_space<vmem>>
    %dma_start3A_36 = tpu.memref_slice %arg2[%dma_start3A_29, %mul3A_2] : memref<26x16384xi32, #tpu.memory_space<hbm>> -> memref<1x512xi32, #tpu.memory_space<hbm>>
    %dma_start3A_37 = tpu.memref_squeeze %dma_start3A_36 : memref<1x512xi32, #tpu.memory_space<hbm>> -> memref<512xi32, #tpu.memory_space<hbm>>
    tpu.enqueue_dma source(%dma_start3A_37 : memref<512xi32, #tpu.memory_space<hbm>>) target(%dma_start3A_35 : memref<512xi32, #tpu.memory_space<vmem>>) target_semaphore(%arg9 : memref<!tpu.dma_semaphore, #tpu.memory_space<semaphore_mem>>)
    %dma_start3A_38 = arith.constant 4 : i32
    %dma_start3A_39 = arith.constant 2048 : i32
    %dma_start3A_40 = tpu.memref_slice %arg5[%dma_start3A_39] : memref<13312xi32, #tpu.memory_space<vmem>> -> memref<512xi32, #tpu.memory_space<vmem>>
    %dma_start3A_41 = tpu.memref_slice %arg2[%dma_start3A_38, %mul3A_2] : memref<26x16384xi32, #tpu.memory_space<hbm>> -> memref<1x512xi32, #tpu.memory_space<hbm>>
    %dma_start3A_42 = tpu.memref_squeeze %dma_start3A_41 : memref<1x512xi32, #tpu.memory_space<hbm>> -> memref<512xi32, #tpu.memory_space<hbm>>
    %dma_start3A_43 = arith.constant 2048 : i32
    %dma_start3A_44 = tpu.memref_slice %arg5[%dma_start3A_43] : memref<13312xi32, #tpu.memory_space<vmem>> -> memref<512xi32, #tpu.memory_space<vmem>>
    %dma_start3A_45 = tpu.memref_slice %arg2[%dma_start3A_38, %mul3A_2] : memref<26x16384xi32, #tpu.memory_space<hbm>> -> memref<1x512xi32, #tpu.memory_space<hbm>>
    %dma_start3A_46 = tpu.memref_squeeze %dma_start3A_45 : memref<1x512xi32, #tpu.memory_space<hbm>> -> memref<512xi32, #tpu.memory_space<hbm>>
    tpu.enqueue_dma source(%dma_start3A_46 : memref<512xi32, #tpu.memory_space<hbm>>) target(%dma_start3A_44 : memref<512xi32, #tpu.memory_space<vmem>>) target_semaphore(%arg9 : memref<!tpu.dma_semaphore, #tpu.memory_space<semaphore_mem>>)
    %dma_start3A_47 = arith.constant 5 : i32
    %dma_start3A_48 = arith.constant 2560 : i32
    %dma_start3A_49 = tpu.memref_slice %arg5[%dma_start3A_48] : memref<13312xi32, #tpu.memory_space<vmem>> -> memref<512xi32, #tpu.memory_space<vmem>>
    %dma_start3A_50 = tpu.memref_slice %arg2[%dma_start3A_47, %mul3A_2] : memref<26x16384xi32, #tpu.memory_space<hbm>> -> memref<1x512xi32, #tpu.memory_space<hbm>>
    %dma_start3A_51 = tpu.memref_squeeze %dma_start3A_50 : memref<1x512xi32, #tpu.memory_space<hbm>> -> memref<512xi32, #tpu.memory_space<hbm>>
    %dma_start3A_52 = arith.constant 2560 : i32
    %dma_start3A_53 = tpu.memref_slice %arg5[%dma_start3A_52] : memref<13312xi32, #tpu.memory_space<vmem>> -> memref<512xi32, #tpu.memory_space<vmem>>
    %dma_start3A_54 = tpu.memref_slice %arg2[%dma_start3A_47, %mul3A_2] : memref<26x16384xi32, #tpu.memory_space<hbm>> -> memref<1x512xi32, #tpu.memory_space<hbm>>
    %dma_start3A_55 = tpu.memref_squeeze %dma_start3A_54 : memref<1x512xi32, #tpu.memory_space<hbm>> -> memref<512xi32, #tpu.memory_space<hbm>>
    tpu.enqueue_dma source(%dma_start3A_55 : memref<512xi32, #tpu.memory_space<hbm>>) target(%dma_start3A_53 : memref<512xi32, #tpu.memory_space<vmem>>) target_semaphore(%arg9 : memref<!tpu.dma_semaphore, #tpu.memory_space<semaphore_mem>>)
    %dma_start3A_56 = arith.constant 6 : i32
    %dma_start3A_57 = arith.constant 3072 : i32
    %dma_start3A_58 = tpu.memref_slice %arg5[%dma_start3A_57] : memref<13312xi32, #tpu.memory_space<vmem>> -> memref<512xi32, #tpu.memory_space<vmem>>
    %dma_start3A_59 = tpu.memref_slice %arg2[%dma_start3A_56, %mul3A_2] : memref<26x16384xi32, #tpu.memory_space<hbm>> -> memref<1x512xi32, #tpu.memory_space<hbm>>
    %dma_start3A_60 = tpu.memref_squeeze %dma_start3A_59 : memref<1x512xi32, #tpu.memory_space<hbm>> -> memref<512xi32, #tpu.memory_space<hbm>>
    %dma_start3A_61 = arith.constant 3072 : i32
    %dma_start3A_62 = tpu.memref_slice %arg5[%dma_start3A_61] : memref<13312xi32, #tpu.memory_space<vmem>> -> memref<512xi32, #tpu.memory_space<vmem>>
    %dma_start3A_63 = tpu.memref_slice %arg2[%dma_start3A_56, %mul3A_2] : memref<26x16384xi32, #tpu.memory_space<hbm>> -> memref<1x512xi32, #tpu.memory_space<hbm>>
    %dma_start3A_64 = tpu.memref_squeeze %dma_start3A_63 : memref<1x512xi32, #tpu.memory_space<hbm>> -> memref<512xi32, #tpu.memory_space<hbm>>
    tpu.enqueue_dma source(%dma_start3A_64 : memref<512xi32, #tpu.memory_space<hbm>>) target(%dma_start3A_62 : memref<512xi32, #tpu.memory_space<vmem>>) target_semaphore(%arg9 : memref<!tpu.dma_semaphore, #tpu.memory_space<semaphore_mem>>)
    %dma_start3A_65 = arith.constant 7 : i32
    %dma_start3A_66 = arith.constant 3584 : i32
    %dma_start3A_67 = tpu.memref_slice %arg5[%dma_start3A_66] : memref<13312xi32, #tpu.memory_space<vmem>> -> memref<512xi32, #tpu.memory_space<vmem>>
    %dma_start3A_68 = tpu.memref_slice %arg2[%dma_start3A_65, %mul3A_2] : memref<26x16384xi32, #tpu.memory_space<hbm>> -> memref<1x512xi32, #tpu.memory_space<hbm>>
    %dma_start3A_69 = tpu.memref_squeeze %dma_start3A_68 : memref<1x512xi32, #tpu.memory_space<hbm>> -> memref<512xi32, #tpu.memory_space<hbm>>
    %dma_start3A_70 = arith.constant 3584 : i32
    %dma_start3A_71 = tpu.memref_slice %arg5[%dma_start3A_70] : memref<13312xi32, #tpu.memory_space<vmem>> -> memref<512xi32, #tpu.memory_space<vmem>>
    %dma_start3A_72 = tpu.memref_slice %arg2[%dma_start3A_65, %mul3A_2] : memref<26x16384xi32, #tpu.memory_space<hbm>> -> memref<1x512xi32, #tpu.memory_space<hbm>>
    %dma_start3A_73 = tpu.memref_squeeze %dma_start3A_72 : memref<1x512xi32, #tpu.memory_space<hbm>> -> memref<512xi32, #tpu.memory_space<hbm>>
    tpu.enqueue_dma source(%dma_start3A_73 : memref<512xi32, #tpu.memory_space<hbm>>) target(%dma_start3A_71 : memref<512xi32, #tpu.memory_space<vmem>>) target_semaphore(%arg9 : memref<!tpu.dma_semaphore, #tpu.memory_space<semaphore_mem>>)
    %dma_start3A_74 = arith.constant 8 : i32
    %dma_start3A_75 = arith.constant 4096 : i32
    %dma_start3A_76 = tpu.memref_slice %arg5[%dma_start3A_75] : memref<13312xi32, #tpu.memory_space<vmem>> -> memref<512xi32, #tpu.memory_space<vmem>>
    %dma_start3A_77 = tpu.memref_slice %arg2[%dma_start3A_74, %mul3A_2] : memref<26x16384xi32, #tpu.memory_space<hbm>> -> memref<1x512xi32, #tpu.memory_space<hbm>>
    %dma_start3A_78 = tpu.memref_squeeze %dma_start3A_77 : memref<1x512xi32, #tpu.memory_space<hbm>> -> memref<512xi32, #tpu.memory_space<hbm>>
    %dma_start3A_79 = arith.constant 4096 : i32
    %dma_start3A_80 = tpu.memref_slice %arg5[%dma_start3A_79] : memref<13312xi32, #tpu.memory_space<vmem>> -> memref<512xi32, #tpu.memory_space<vmem>>
    %dma_start3A_81 = tpu.memref_slice %arg2[%dma_start3A_74, %mul3A_2] : memref<26x16384xi32, #tpu.memory_space<hbm>> -> memref<1x512xi32, #tpu.memory_space<hbm>>
    %dma_start3A_82 = tpu.memref_squeeze %dma_start3A_81 : memref<1x512xi32, #tpu.memory_space<hbm>> -> memref<512xi32, #tpu.memory_space<hbm>>
    tpu.enqueue_dma source(%dma_start3A_82 : memref<512xi32, #tpu.memory_space<hbm>>) target(%dma_start3A_80 : memref<512xi32, #tpu.memory_space<vmem>>) target_semaphore(%arg9 : memref<!tpu.dma_semaphore, #tpu.memory_space<semaphore_mem>>)
    %dma_start3A_83 = arith.constant 9 : i32
    %dma_start3A_84 = arith.constant 4608 : i32
    %dma_start3A_85 = tpu.memref_slice %arg5[%dma_start3A_84] : memref<13312xi32, #tpu.memory_space<vmem>> -> memref<512xi32, #tpu.memory_space<vmem>>
    %dma_start3A_86 = tpu.memref_slice %arg2[%dma_start3A_83, %mul3A_2] : memref<26x16384xi32, #tpu.memory_space<hbm>> -> memref<1x512xi32, #tpu.memory_space<hbm>>
    %dma_start3A_87 = tpu.memref_squeeze %dma_start3A_86 : memref<1x512xi32, #tpu.memory_space<hbm>> -> memref<512xi32, #tpu.memory_space<hbm>>
    %dma_start3A_88 = arith.constant 4608 : i32
    %dma_start3A_89 = tpu.memref_slice %arg5[%dma_start3A_88] : memref<13312xi32, #tpu.memory_space<vmem>> -> memref<512xi32, #tpu.memory_space<vmem>>
    %dma_start3A_90 = tpu.memref_slice %arg2[%dma_start3A_83, %mul3A_2] : memref<26x16384xi32, #tpu.memory_space<hbm>> -> memref<1x512xi32, #tpu.memory_space<hbm>>
    %dma_start3A_91 = tpu.memref_squeeze %dma_start3A_90 : memref<1x512xi32, #tpu.memory_space<hbm>> -> memref<512xi32, #tpu.memory_space<hbm>>
    tpu.enqueue_dma source(%dma_start3A_91 : memref<512xi32, #tpu.memory_space<hbm>>) target(%dma_start3A_89 : memref<512xi32, #tpu.memory_space<vmem>>) target_semaphore(%arg9 : memref<!tpu.dma_semaphore, #tpu.memory_space<semaphore_mem>>)
    %dma_start3A_92 = arith.constant 10 : i32
    %dma_start3A_93 = arith.constant 5120 : i32
    %dma_start3A_94 = tpu.memref_slice %arg5[%dma_start3A_93] : memref<13312xi32, #tpu.memory_space<vmem>> -> memref<512xi32, #tpu.memory_space<vmem>>
    %dma_start3A_95 = tpu.memref_slice %arg2[%dma_start3A_92, %mul3A_2] : memref<26x16384xi32, #tpu.memory_space<hbm>> -> memref<1x512xi32, #tpu.memory_space<hbm>>
    %dma_start3A_96 = tpu.memref_squeeze %dma_start3A_95 : memref<1x512xi32, #tpu.memory_space<hbm>> -> memref<512xi32, #tpu.memory_space<hbm>>
    %dma_start3A_97 = arith.constant 5120 : i32
    %dma_start3A_98 = tpu.memref_slice %arg5[%dma_start3A_97] : memref<13312xi32, #tpu.memory_space<vmem>> -> memref<512xi32, #tpu.memory_space<vmem>>
    %dma_start3A_99 = tpu.memref_slice %arg2[%dma_start3A_92, %mul3A_2] : memref<26x16384xi32, #tpu.memory_space<hbm>> -> memref<1x512xi32, #tpu.memory_space<hbm>>
    %dma_start3A_100 = tpu.memref_squeeze %dma_start3A_99 : memref<1x512xi32, #tpu.memory_space<hbm>> -> memref<512xi32, #tpu.memory_space<hbm>>
    tpu.enqueue_dma source(%dma_start3A_100 : memref<512xi32, #tpu.memory_space<hbm>>) target(%dma_start3A_98 : memref<512xi32, #tpu.memory_space<vmem>>) target_semaphore(%arg9 : memref<!tpu.dma_semaphore, #tpu.memory_space<semaphore_mem>>)
    %dma_start3A_101 = arith.constant 11 : i32
    %dma_start3A_102 = arith.constant 5632 : i32
    %dma_start3A_103 = tpu.memref_slice %arg5[%dma_start3A_102] : memref<13312xi32, #tpu.memory_space<vmem>> -> memref<512xi32, #tpu.memory_space<vmem>>
    %dma_start3A_104 = tpu.memref_slice %arg2[%dma_start3A_101, %mul3A_2] : memref<26x16384xi32, #tpu.memory_space<hbm>> -> memref<1x512xi32, #tpu.memory_space<hbm>>
    %dma_start3A_105 = tpu.memref_squeeze %dma_start3A_104 : memref<1x512xi32, #tpu.memory_space<hbm>> -> memref<512xi32, #tpu.memory_space<hbm>>
    %dma_start3A_106 = arith.constant 5632 : i32
    %dma_start3A_107 = tpu.memref_slice %arg5[%dma_start3A_106] : memref<13312xi32, #tpu.memory_space<vmem>> -> memref<512xi32, #tpu.memory_space<vmem>>
    %dma_start3A_108 = tpu.memref_slice %arg2[%dma_start3A_101, %mul3A_2] : memref<26x16384xi32, #tpu.memory_space<hbm>> -> memref<1x512xi32, #tpu.memory_space<hbm>>
    %dma_start3A_109 = tpu.memref_squeeze %dma_start3A_108 : memref<1x512xi32, #tpu.memory_space<hbm>> -> memref<512xi32, #tpu.memory_space<hbm>>
    tpu.enqueue_dma source(%dma_start3A_109 : memref<512xi32, #tpu.memory_space<hbm>>) target(%dma_start3A_107 : memref<512xi32, #tpu.memory_space<vmem>>) target_semaphore(%arg9 : memref<!tpu.dma_semaphore, #tpu.memory_space<semaphore_mem>>)
    %dma_start3A_110 = arith.constant 12 : i32
    %dma_start3A_111 = arith.constant 6144 : i32
    %dma_start3A_112 = tpu.memref_slice %arg5[%dma_start3A_111] : memref<13312xi32, #tpu.memory_space<vmem>> -> memref<512xi32, #tpu.memory_space<vmem>>
    %dma_start3A_113 = tpu.memref_slice %arg2[%dma_start3A_110, %mul3A_2] : memref<26x16384xi32, #tpu.memory_space<hbm>> -> memref<1x512xi32, #tpu.memory_space<hbm>>
    %dma_start3A_114 = tpu.memref_squeeze %dma_start3A_113 : memref<1x512xi32, #tpu.memory_space<hbm>> -> memref<512xi32, #tpu.memory_space<hbm>>
    %dma_start3A_115 = arith.constant 6144 : i32
    %dma_start3A_116 = tpu.memref_slice %arg5[%dma_start3A_115] : memref<13312xi32, #tpu.memory_space<vmem>> -> memref<512xi32, #tpu.memory_space<vmem>>
    %dma_start3A_117 = tpu.memref_slice %arg2[%dma_start3A_110, %mul3A_2] : memref<26x16384xi32, #tpu.memory_space<hbm>> -> memref<1x512xi32, #tpu.memory_space<hbm>>
    %dma_start3A_118 = tpu.memref_squeeze %dma_start3A_117 : memref<1x512xi32, #tpu.memory_space<hbm>> -> memref<512xi32, #tpu.memory_space<hbm>>
    tpu.enqueue_dma source(%dma_start3A_118 : memref<512xi32, #tpu.memory_space<hbm>>) target(%dma_start3A_116 : memref<512xi32, #tpu.memory_space<vmem>>) target_semaphore(%arg9 : memref<!tpu.dma_semaphore, #tpu.memory_space<semaphore_mem>>)
    %dma_start3A_119 = arith.constant 13 : i32
    %dma_start3A_120 = arith.constant 6656 : i32
    %dma_start3A_121 = tpu.memref_slice %arg5[%dma_start3A_120] : memref<13312xi32, #tpu.memory_space<vmem>> -> memref<512xi32, #tpu.memory_space<vmem>>
    %dma_start3A_122 = tpu.memref_slice %arg2[%dma_start3A_119, %mul3A_2] : memref<26x16384xi32, #tpu.memory_space<hbm>> -> memref<1x512xi32, #tpu.memory_space<hbm>>
    %dma_start3A_123 = tpu.memref_squeeze %dma_start3A_122 : memref<1x512xi32, #tpu.memory_space<hbm>> -> memref<512xi32, #tpu.memory_space<hbm>>
    %dma_start3A_124 = arith.constant 6656 : i32
    %dma_start3A_125 = tpu.memref_slice %arg5[%dma_start3A_124] : memref<13312xi32, #tpu.memory_space<vmem>> -> memref<512xi32, #tpu.memory_space<vmem>>
    %dma_start3A_126 = tpu.memref_slice %arg2[%dma_start3A_119, %mul3A_2] : memref<26x16384xi32, #tpu.memory_space<hbm>> -> memref<1x512xi32, #tpu.memory_space<hbm>>
    %dma_start3A_127 = tpu.memref_squeeze %dma_start3A_126 : memref<1x512xi32, #tpu.memory_space<hbm>> -> memref<512xi32, #tpu.memory_space<hbm>>
    tpu.enqueue_dma source(%dma_start3A_127 : memref<512xi32, #tpu.memory_space<hbm>>) target(%dma_start3A_125 : memref<512xi32, #tpu.memory_space<vmem>>) target_semaphore(%arg9 : memref<!tpu.dma_semaphore, #tpu.memory_space<semaphore_mem>>)
    %dma_start3A_128 = arith.constant 14 : i32
    %dma_start3A_129 = arith.constant 7168 : i32
    %dma_start3A_130 = tpu.memref_slice %arg5[%dma_start3A_129] : memref<13312xi32, #tpu.memory_space<vmem>> -> memref<512xi32, #tpu.memory_space<vmem>>
    %dma_start3A_131 = tpu.memref_slice %arg2[%dma_start3A_128, %mul3A_2] : memref<26x16384xi32, #tpu.memory_space<hbm>> -> memref<1x512xi32, #tpu.memory_space<hbm>>
    %dma_start3A_132 = tpu.memref_squeeze %dma_start3A_131 : memref<1x512xi32, #tpu.memory_space<hbm>> -> memref<512xi32, #tpu.memory_space<hbm>>
    %dma_start3A_133 = arith.constant 7168 : i32
    %dma_start3A_134 = tpu.memref_slice %arg5[%dma_start3A_133] : memref<13312xi32, #tpu.memory_space<vmem>> -> memref<512xi32, #tpu.memory_space<vmem>>
    %dma_start3A_135 = tpu.memref_slice %arg2[%dma_start3A_128, %mul3A_2] : memref<26x16384xi32, #tpu.memory_space<hbm>> -> memref<1x512xi32, #tpu.memory_space<hbm>>
    %dma_start3A_136 = tpu.memref_squeeze %dma_start3A_135 : memref<1x512xi32, #tpu.memory_space<hbm>> -> memref<512xi32, #tpu.memory_space<hbm>>
    tpu.enqueue_dma source(%dma_start3A_136 : memref<512xi32, #tpu.memory_space<hbm>>) target(%dma_start3A_134 : memref<512xi32, #tpu.memory_space<vmem>>) target_semaphore(%arg9 : memref<!tpu.dma_semaphore, #tpu.memory_space<semaphore_mem>>)
    %dma_start3A_137 = arith.constant 15 : i32
    %dma_start3A_138 = arith.constant 7680 : i32
    %dma_start3A_139 = tpu.memref_slice %arg5[%dma_start3A_138] : memref<13312xi32, #tpu.memory_space<vmem>> -> memref<512xi32, #tpu.memory_space<vmem>>
    %dma_start3A_140 = tpu.memref_slice %arg2[%dma_start3A_137, %mul3A_2] : memref<26x16384xi32, #tpu.memory_space<hbm>> -> memref<1x512xi32, #tpu.memory_space<hbm>>
    %dma_start3A_141 = tpu.memref_squeeze %dma_start3A_140 : memref<1x512xi32, #tpu.memory_space<hbm>> -> memref<512xi32, #tpu.memory_space<hbm>>
    %dma_start3A_142 = arith.constant 7680 : i32
    %dma_start3A_143 = tpu.memref_slice %arg5[%dma_start3A_142] : memref<13312xi32, #tpu.memory_space<vmem>> -> memref<512xi32, #tpu.memory_space<vmem>>
    %dma_start3A_144 = tpu.memref_slice %arg2[%dma_start3A_137, %mul3A_2] : memref<26x16384xi32, #tpu.memory_space<hbm>> -> memref<1x512xi32, #tpu.memory_space<hbm>>
    %dma_start3A_145 = tpu.memref_squeeze %dma_start3A_144 : memref<1x512xi32, #tpu.memory_space<hbm>> -> memref<512xi32, #tpu.memory_space<hbm>>
    tpu.enqueue_dma source(%dma_start3A_145 : memref<512xi32, #tpu.memory_space<hbm>>) target(%dma_start3A_143 : memref<512xi32, #tpu.memory_space<vmem>>) target_semaphore(%arg9 : memref<!tpu.dma_semaphore, #tpu.memory_space<semaphore_mem>>)
    %dma_start3A_146 = arith.constant 16 : i32
    %dma_start3A_147 = arith.constant 8192 : i32
    %dma_start3A_148 = tpu.memref_slice %arg5[%dma_start3A_147] : memref<13312xi32, #tpu.memory_space<vmem>> -> memref<512xi32, #tpu.memory_space<vmem>>
    %dma_start3A_149 = tpu.memref_slice %arg2[%dma_start3A_146, %mul3A_2] : memref<26x16384xi32, #tpu.memory_space<hbm>> -> memref<1x512xi32, #tpu.memory_space<hbm>>
    %dma_start3A_150 = tpu.memref_squeeze %dma_start3A_149 : memref<1x512xi32, #tpu.memory_space<hbm>> -> memref<512xi32, #tpu.memory_space<hbm>>
    %dma_start3A_151 = arith.constant 8192 : i32
    %dma_start3A_152 = tpu.memref_slice %arg5[%dma_start3A_151] : memref<13312xi32, #tpu.memory_space<vmem>> -> memref<512xi32, #tpu.memory_space<vmem>>
    %dma_start3A_153 = tpu.memref_slice %arg2[%dma_start3A_146, %mul3A_2] : memref<26x16384xi32, #tpu.memory_space<hbm>> -> memref<1x512xi32, #tpu.memory_space<hbm>>
    %dma_start3A_154 = tpu.memref_squeeze %dma_start3A_153 : memref<1x512xi32, #tpu.memory_space<hbm>> -> memref<512xi32, #tpu.memory_space<hbm>>
    tpu.enqueue_dma source(%dma_start3A_154 : memref<512xi32, #tpu.memory_space<hbm>>) target(%dma_start3A_152 : memref<512xi32, #tpu.memory_space<vmem>>) target_semaphore(%arg9 : memref<!tpu.dma_semaphore, #tpu.memory_space<semaphore_mem>>)
    %dma_start3A_155 = arith.constant 17 : i32
    %dma_start3A_156 = arith.constant 8704 : i32
    %dma_start3A_157 = tpu.memref_slice %arg5[%dma_start3A_156] : memref<13312xi32, #tpu.memory_space<vmem>> -> memref<512xi32, #tpu.memory_space<vmem>>
    %dma_start3A_158 = tpu.memref_slice %arg2[%dma_start3A_155, %mul3A_2] : memref<26x16384xi32, #tpu.memory_space<hbm>> -> memref<1x512xi32, #tpu.memory_space<hbm>>
    %dma_start3A_159 = tpu.memref_squeeze %dma_start3A_158 : memref<1x512xi32, #tpu.memory_space<hbm>> -> memref<512xi32, #tpu.memory_space<hbm>>
    %dma_start3A_160 = arith.constant 8704 : i32
    %dma_start3A_161 = tpu.memref_slice %arg5[%dma_start3A_160] : memref<13312xi32, #tpu.memory_space<vmem>> -> memref<512xi32, #tpu.memory_space<vmem>>
    %dma_start3A_162 = tpu.memref_slice %arg2[%dma_start3A_155, %mul3A_2] : memref<26x16384xi32, #tpu.memory_space<hbm>> -> memref<1x512xi32, #tpu.memory_space<hbm>>
    %dma_start3A_163 = tpu.memref_squeeze %dma_start3A_162 : memref<1x512xi32, #tpu.memory_space<hbm>> -> memref<512xi32, #tpu.memory_space<hbm>>
    tpu.enqueue_dma source(%dma_start3A_163 : memref<512xi32, #tpu.memory_space<hbm>>) target(%dma_start3A_161 : memref<512xi32, #tpu.memory_space<vmem>>) target_semaphore(%arg9 : memref<!tpu.dma_semaphore, #tpu.memory_space<semaphore_mem>>)
    %dma_start3A_164 = arith.constant 18 : i32
    %dma_start3A_165 = arith.constant 9216 : i32
    %dma_start3A_166 = tpu.memref_slice %arg5[%dma_start3A_165] : memref<13312xi32, #tpu.memory_space<vmem>> -> memref<512xi32, #tpu.memory_space<vmem>>
    %dma_start3A_167 = tpu.memref_slice %arg2[%dma_start3A_164, %mul3A_2] : memref<26x16384xi32, #tpu.memory_space<hbm>> -> memref<1x512xi32, #tpu.memory_space<hbm>>
    %dma_start3A_168 = tpu.memref_squeeze %dma_start3A_167 : memref<1x512xi32, #tpu.memory_space<hbm>> -> memref<512xi32, #tpu.memory_space<hbm>>
    %dma_start3A_169 = arith.constant 9216 : i32
    %dma_start3A_170 = tpu.memref_slice %arg5[%dma_start3A_169] : memref<13312xi32, #tpu.memory_space<vmem>> -> memref<512xi32, #tpu.memory_space<vmem>>
    %dma_start3A_171 = tpu.memref_slice %arg2[%dma_start3A_164, %mul3A_2] : memref<26x16384xi32, #tpu.memory_space<hbm>> -> memref<1x512xi32, #tpu.memory_space<hbm>>
    %dma_start3A_172 = tpu.memref_squeeze %dma_start3A_171 : memref<1x512xi32, #tpu.memory_space<hbm>> -> memref<512xi32, #tpu.memory_space<hbm>>
    tpu.enqueue_dma source(%dma_start3A_172 : memref<512xi32, #tpu.memory_space<hbm>>) target(%dma_start3A_170 : memref<512xi32, #tpu.memory_space<vmem>>) target_semaphore(%arg9 : memref<!tpu.dma_semaphore, #tpu.memory_space<semaphore_mem>>)
    %dma_start3A_173 = arith.constant 19 : i32
    %dma_start3A_174 = arith.constant 9728 : i32
    %dma_start3A_175 = tpu.memref_slice %arg5[%dma_start3A_174] : memref<13312xi32, #tpu.memory_space<vmem>> -> memref<512xi32, #tpu.memory_space<vmem>>
    %dma_start3A_176 = tpu.memref_slice %arg2[%dma_start3A_173, %mul3A_2] : memref<26x16384xi32, #tpu.memory_space<hbm>> -> memref<1x512xi32, #tpu.memory_space<hbm>>
    %dma_start3A_177 = tpu.memref_squeeze %dma_start3A_176 : memref<1x512xi32, #tpu.memory_space<hbm>> -> memref<512xi32, #tpu.memory_space<hbm>>
    %dma_start3A_178 = arith.constant 9728 : i32
    %dma_start3A_179 = tpu.memref_slice %arg5[%dma_start3A_178] : memref<13312xi32, #tpu.memory_space<vmem>> -> memref<512xi32, #tpu.memory_space<vmem>>
    %dma_start3A_180 = tpu.memref_slice %arg2[%dma_start3A_173, %mul3A_2] : memref<26x16384xi32, #tpu.memory_space<hbm>> -> memref<1x512xi32, #tpu.memory_space<hbm>>
    %dma_start3A_181 = tpu.memref_squeeze %dma_start3A_180 : memref<1x512xi32, #tpu.memory_space<hbm>> -> memref<512xi32, #tpu.memory_space<hbm>>
    tpu.enqueue_dma source(%dma_start3A_181 : memref<512xi32, #tpu.memory_space<hbm>>) target(%dma_start3A_179 : memref<512xi32, #tpu.memory_space<vmem>>) target_semaphore(%arg9 : memref<!tpu.dma_semaphore, #tpu.memory_space<semaphore_mem>>)
    %dma_start3A_182 = arith.constant 20 : i32
    %dma_start3A_183 = arith.constant 10240 : i32
    %dma_start3A_184 = tpu.memref_slice %arg5[%dma_start3A_183] : memref<13312xi32, #tpu.memory_space<vmem>> -> memref<512xi32, #tpu.memory_space<vmem>>
    %dma_start3A_185 = tpu.memref_slice %arg2[%dma_start3A_182, %mul3A_2] : memref<26x16384xi32, #tpu.memory_space<hbm>> -> memref<1x512xi32, #tpu.memory_space<hbm>>
    %dma_start3A_186 = tpu.memref_squeeze %dma_start3A_185 : memref<1x512xi32, #tpu.memory_space<hbm>> -> memref<512xi32, #tpu.memory_space<hbm>>
    %dma_start3A_187 = arith.constant 10240 : i32
    %dma_start3A_188 = tpu.memref_slice %arg5[%dma_start3A_187] : memref<13312xi32, #tpu.memory_space<vmem>> -> memref<512xi32, #tpu.memory_space<vmem>>
    %dma_start3A_189 = tpu.memref_slice %arg2[%dma_start3A_182, %mul3A_2] : memref<26x16384xi32, #tpu.memory_space<hbm>> -> memref<1x512xi32, #tpu.memory_space<hbm>>
    %dma_start3A_190 = tpu.memref_squeeze %dma_start3A_189 : memref<1x512xi32, #tpu.memory_space<hbm>> -> memref<512xi32, #tpu.memory_space<hbm>>
    tpu.enqueue_dma source(%dma_start3A_190 : memref<512xi32, #tpu.memory_space<hbm>>) target(%dma_start3A_188 : memref<512xi32, #tpu.memory_space<vmem>>) target_semaphore(%arg9 : memref<!tpu.dma_semaphore, #tpu.memory_space<semaphore_mem>>)
    %dma_start3A_191 = arith.constant 21 : i32
    %dma_start3A_192 = arith.constant 10752 : i32
    %dma_start3A_193 = tpu.memref_slice %arg5[%dma_start3A_192] : memref<13312xi32, #tpu.memory_space<vmem>> -> memref<512xi32, #tpu.memory_space<vmem>>
    %dma_start3A_194 = tpu.memref_slice %arg2[%dma_start3A_191, %mul3A_2] : memref<26x16384xi32, #tpu.memory_space<hbm>> -> memref<1x512xi32, #tpu.memory_space<hbm>>
    %dma_start3A_195 = tpu.memref_squeeze %dma_start3A_194 : memref<1x512xi32, #tpu.memory_space<hbm>> -> memref<512xi32, #tpu.memory_space<hbm>>
    %dma_start3A_196 = arith.constant 10752 : i32
    %dma_start3A_197 = tpu.memref_slice %arg5[%dma_start3A_196] : memref<13312xi32, #tpu.memory_space<vmem>> -> memref<512xi32, #tpu.memory_space<vmem>>
    %dma_start3A_198 = tpu.memref_slice %arg2[%dma_start3A_191, %mul3A_2] : memref<26x16384xi32, #tpu.memory_space<hbm>> -> memref<1x512xi32, #tpu.memory_space<hbm>>
    %dma_start3A_199 = tpu.memref_squeeze %dma_start3A_198 : memref<1x512xi32, #tpu.memory_space<hbm>> -> memref<512xi32, #tpu.memory_space<hbm>>
    tpu.enqueue_dma source(%dma_start3A_199 : memref<512xi32, #tpu.memory_space<hbm>>) target(%dma_start3A_197 : memref<512xi32, #tpu.memory_space<vmem>>) target_semaphore(%arg9 : memref<!tpu.dma_semaphore, #tpu.memory_space<semaphore_mem>>)
    %dma_start3A_200 = arith.constant 22 : i32
    %dma_start3A_201 = arith.constant 11264 : i32
    %dma_start3A_202 = tpu.memref_slice %arg5[%dma_start3A_201] : memref<13312xi32, #tpu.memory_space<vmem>> -> memref<512xi32, #tpu.memory_space<vmem>>
    %dma_start3A_203 = tpu.memref_slice %arg2[%dma_start3A_200, %mul3A_2] : memref<26x16384xi32, #tpu.memory_space<hbm>> -> memref<1x512xi32, #tpu.memory_space<hbm>>
    %dma_start3A_204 = tpu.memref_squeeze %dma_start3A_203 : memref<1x512xi32, #tpu.memory_space<hbm>> -> memref<512xi32, #tpu.memory_space<hbm>>
    %dma_start3A_205 = arith.constant 11264 : i32
    %dma_start3A_206 = tpu.memref_slice %arg5[%dma_start3A_205] : memref<13312xi32, #tpu.memory_space<vmem>> -> memref<512xi32, #tpu.memory_space<vmem>>
    %dma_start3A_207 = tpu.memref_slice %arg2[%dma_start3A_200, %mul3A_2] : memref<26x16384xi32, #tpu.memory_space<hbm>> -> memref<1x512xi32, #tpu.memory_space<hbm>>
    %dma_start3A_208 = tpu.memref_squeeze %dma_start3A_207 : memref<1x512xi32, #tpu.memory_space<hbm>> -> memref<512xi32, #tpu.memory_space<hbm>>
    tpu.enqueue_dma source(%dma_start3A_208 : memref<512xi32, #tpu.memory_space<hbm>>) target(%dma_start3A_206 : memref<512xi32, #tpu.memory_space<vmem>>) target_semaphore(%arg9 : memref<!tpu.dma_semaphore, #tpu.memory_space<semaphore_mem>>)
    %dma_start3A_209 = arith.constant 23 : i32
    %dma_start3A_210 = arith.constant 11776 : i32
    %dma_start3A_211 = tpu.memref_slice %arg5[%dma_start3A_210] : memref<13312xi32, #tpu.memory_space<vmem>> -> memref<512xi32, #tpu.memory_space<vmem>>
    %dma_start3A_212 = tpu.memref_slice %arg2[%dma_start3A_209, %mul3A_2] : memref<26x16384xi32, #tpu.memory_space<hbm>> -> memref<1x512xi32, #tpu.memory_space<hbm>>
    %dma_start3A_213 = tpu.memref_squeeze %dma_start3A_212 : memref<1x512xi32, #tpu.memory_space<hbm>> -> memref<512xi32, #tpu.memory_space<hbm>>
    %dma_start3A_214 = arith.constant 11776 : i32
    %dma_start3A_215 = tpu.memref_slice %arg5[%dma_start3A_214] : memref<13312xi32, #tpu.memory_space<vmem>> -> memref<512xi32, #tpu.memory_space<vmem>>
    %dma_start3A_216 = tpu.memref_slice %arg2[%dma_start3A_209, %mul3A_2] : memref<26x16384xi32, #tpu.memory_space<hbm>> -> memref<1x512xi32, #tpu.memory_space<hbm>>
    %dma_start3A_217 = tpu.memref_squeeze %dma_start3A_216 : memref<1x512xi32, #tpu.memory_space<hbm>> -> memref<512xi32, #tpu.memory_space<hbm>>
    tpu.enqueue_dma source(%dma_start3A_217 : memref<512xi32, #tpu.memory_space<hbm>>) target(%dma_start3A_215 : memref<512xi32, #tpu.memory_space<vmem>>) target_semaphore(%arg9 : memref<!tpu.dma_semaphore, #tpu.memory_space<semaphore_mem>>)
    %dma_start3A_218 = arith.constant 24 : i32
    %dma_start3A_219 = arith.constant 12288 : i32
    %dma_start3A_220 = tpu.memref_slice %arg5[%dma_start3A_219] : memref<13312xi32, #tpu.memory_space<vmem>> -> memref<512xi32, #tpu.memory_space<vmem>>
    %dma_start3A_221 = tpu.memref_slice %arg2[%dma_start3A_218, %mul3A_2] : memref<26x16384xi32, #tpu.memory_space<hbm>> -> memref<1x512xi32, #tpu.memory_space<hbm>>
    %dma_start3A_222 = tpu.memref_squeeze %dma_start3A_221 : memref<1x512xi32, #tpu.memory_space<hbm>> -> memref<512xi32, #tpu.memory_space<hbm>>
    %dma_start3A_223 = arith.constant 12288 : i32
    %dma_start3A_224 = tpu.memref_slice %arg5[%dma_start3A_223] : memref<13312xi32, #tpu.memory_space<vmem>> -> memref<512xi32, #tpu.memory_space<vmem>>
    %dma_start3A_225 = tpu.memref_slice %arg2[%dma_start3A_218, %mul3A_2] : memref<26x16384xi32, #tpu.memory_space<hbm>> -> memref<1x512xi32, #tpu.memory_space<hbm>>
    %dma_start3A_226 = tpu.memref_squeeze %dma_start3A_225 : memref<1x512xi32, #tpu.memory_space<hbm>> -> memref<512xi32, #tpu.memory_space<hbm>>
    tpu.enqueue_dma source(%dma_start3A_226 : memref<512xi32, #tpu.memory_space<hbm>>) target(%dma_start3A_224 : memref<512xi32, #tpu.memory_space<vmem>>) target_semaphore(%arg9 : memref<!tpu.dma_semaphore, #tpu.memory_space<semaphore_mem>>)
    %dma_start3A_227 = arith.constant 25 : i32
    %dma_start3A_228 = arith.constant 12800 : i32
    %dma_start3A_229 = tpu.memref_slice %arg5[%dma_start3A_228] : memref<13312xi32, #tpu.memory_space<vmem>> -> memref<512xi32, #tpu.memory_space<vmem>>
    %dma_start3A_230 = tpu.memref_slice %arg2[%dma_start3A_227, %mul3A_2] : memref<26x16384xi32, #tpu.memory_space<hbm>> -> memref<1x512xi32, #tpu.memory_space<hbm>>
    %dma_start3A_231 = tpu.memref_squeeze %dma_start3A_230 : memref<1x512xi32, #tpu.memory_space<hbm>> -> memref<512xi32, #tpu.memory_space<hbm>>
    %dma_start3A_232 = arith.constant 12800 : i32
    %dma_start3A_233 = tpu.memref_slice %arg5[%dma_start3A_232] : memref<13312xi32, #tpu.memory_space<vmem>> -> memref<512xi32, #tpu.memory_space<vmem>>
    %dma_start3A_234 = tpu.memref_slice %arg2[%dma_start3A_227, %mul3A_2] : memref<26x16384xi32, #tpu.memory_space<hbm>> -> memref<1x512xi32, #tpu.memory_space<hbm>>
    %dma_start3A_235 = tpu.memref_squeeze %dma_start3A_234 : memref<1x512xi32, #tpu.memory_space<hbm>> -> memref<512xi32, #tpu.memory_space<hbm>>
    tpu.enqueue_dma source(%dma_start3A_235 : memref<512xi32, #tpu.memory_space<hbm>>) target(%dma_start3A_233 : memref<512xi32, #tpu.memory_space<vmem>>) target_semaphore(%arg9 : memref<!tpu.dma_semaphore, #tpu.memory_space<semaphore_mem>>)
    %dma_wait3A = arith.constant 0 : i32
    %dma_wait3A_236 = arith.constant 0 : i32
    %dma_wait3A_237 = tpu.memref_slice %arg5[%dma_wait3A_236] : memref<13312xi32, #tpu.memory_space<vmem>> -> memref<512xi32, #tpu.memory_space<vmem>>
    %dma_wait3A_238 = tpu.memref_slice %arg2[%dma_wait3A, %mul3A_2] : memref<26x16384xi32, #tpu.memory_space<hbm>> -> memref<1x512xi32, #tpu.memory_space<hbm>>
    %dma_wait3A_239 = tpu.memref_squeeze %dma_wait3A_238 : memref<1x512xi32, #tpu.memory_space<hbm>> -> memref<512xi32, #tpu.memory_space<hbm>>
    %dma_wait3A_240 = arith.constant 0 : i32
    %dma_wait3A_241 = tpu.memref_slice %arg5[%dma_wait3A_240] : memref<13312xi32, #tpu.memory_space<vmem>> -> memref<512xi32, #tpu.memory_space<vmem>>
    %dma_wait3A_242 = tpu.memref_slice %arg2[%dma_wait3A, %mul3A_2] : memref<26x16384xi32, #tpu.memory_space<hbm>> -> memref<1x512xi32, #tpu.memory_space<hbm>>
    %dma_wait3A_243 = tpu.memref_squeeze %dma_wait3A_242 : memref<1x512xi32, #tpu.memory_space<hbm>> -> memref<512xi32, #tpu.memory_space<hbm>>
    tpu.wait_dma2 semaphore(%arg9 : memref<!tpu.dma_semaphore, #tpu.memory_space<semaphore_mem>>) src(%dma_wait3A_243 : memref<512xi32, #tpu.memory_space<hbm>>) dst(%dma_wait3A_241 : memref<512xi32, #tpu.memory_space<vmem>>)
    %dma_start3A_244 = arith.constant 0 : i32
    %dma_start3A_245 = arith.constant 0 : i32
    %dma_start3A_246 = arith.constant 0 : i32
    %dma_start3A_247 = tpu.memref_slice %arg6[%dma_start3A_246] : memref<13312xf32, #tpu.memory_space<vmem>> -> memref<512xf32, #tpu.memory_space<vmem>>
    %dma_start3A_248 = arith.constant 0 : i32
    %dma_start3A_249 = tpu.memref_slice %arg5[%dma_start3A_248] : memref<13312xi32, #tpu.memory_space<vmem>> -> memref<512xi32, #tpu.memory_space<vmem>>
    %dma_start3A_250 = arith.constant 0 : i32
    %dma_start3A_251 = tpu.memref_slice %arg3[%dma_start3A_244, %dma_start3A_245, %dma_start3A_250] : memref<26x1x1000000xf32, #tpu.memory_space<hbm>> -> memref<1x1x999936xf32, #tpu.memory_space<hbm>>
    %dma_start3A_252 = tpu.memref_squeeze %dma_start3A_251 : memref<1x1x999936xf32, #tpu.memory_space<hbm>> -> memref<999936xf32, #tpu.memory_space<hbm>>
    %dma_start3A_253 = arith.constant 0 : i32
    %dma_start3A_254 = tpu.memref_slice %dma_start3A_252[%dma_start3A_253] : memref<999936xf32, #tpu.memory_space<hbm>> -> memref<999936xf32, #tpu.memory_space<hbm>>
    tpu.enqueue_indirect_dma source(%dma_start3A_254 : memref<999936xf32, #tpu.memory_space<hbm>>) target(%dma_start3A_247 : memref<512xf32, #tpu.memory_space<vmem>>) offsets(%dma_start3A_249 : memref<512xi32, #tpu.memory_space<vmem>>) semaphore(%arg8 : memref<!tpu.dma_semaphore, #tpu.memory_space<semaphore_mem>>)
    %dma_wait3A_255 = arith.constant 1 : i32
    %dma_wait3A_256 = arith.constant 512 : i32
    %dma_wait3A_257 = tpu.memref_slice %arg5[%dma_wait3A_256] : memref<13312xi32, #tpu.memory_space<vmem>> -> memref<512xi32, #tpu.memory_space<vmem>>
    %dma_wait3A_258 = tpu.memref_slice %arg2[%dma_wait3A_255, %mul3A_2] : memref<26x16384xi32, #tpu.memory_space<hbm>> -> memref<1x512xi32, #tpu.memory_space<hbm>>
    %dma_wait3A_259 = tpu.memref_squeeze %dma_wait3A_258 : memref<1x512xi32, #tpu.memory_space<hbm>> -> memref<512xi32, #tpu.memory_space<hbm>>
    %dma_wait3A_260 = arith.constant 512 : i32
    %dma_wait3A_261 = tpu.memref_slice %arg5[%dma_wait3A_260] : memref<13312xi32, #tpu.memory_space<vmem>> -> memref<512xi32, #tpu.memory_space<vmem>>
    %dma_wait3A_262 = tpu.memref_slice %arg2[%dma_wait3A_255, %mul3A_2] : memref<26x16384xi32, #tpu.memory_space<hbm>> -> memref<1x512xi32, #tpu.memory_space<hbm>>
    %dma_wait3A_263 = tpu.memref_squeeze %dma_wait3A_262 : memref<1x512xi32, #tpu.memory_space<hbm>> -> memref<512xi32, #tpu.memory_space<hbm>>
    tpu.wait_dma2 semaphore(%arg9 : memref<!tpu.dma_semaphore, #tpu.memory_space<semaphore_mem>>) src(%dma_wait3A_263 : memref<512xi32, #tpu.memory_space<hbm>>) dst(%dma_wait3A_261 : memref<512xi32, #tpu.memory_space<vmem>>)
    %dma_start3A_264 = arith.constant 1 : i32
    %dma_start3A_265 = arith.constant 0 : i32
    %dma_start3A_266 = arith.constant 512 : i32
    %dma_start3A_267 = tpu.memref_slice %arg6[%dma_start3A_266] : memref<13312xf32, #tpu.memory_space<vmem>> -> memref<512xf32, #tpu.memory_space<vmem>>
    %dma_start3A_268 = arith.constant 512 : i32
    %dma_start3A_269 = tpu.memref_slice %arg5[%dma_start3A_268] : memref<13312xi32, #tpu.memory_space<vmem>> -> memref<512xi32, #tpu.memory_space<vmem>>
    %dma_start3A_270 = arith.constant 0 : i32
    %dma_start3A_271 = tpu.memref_slice %arg3[%dma_start3A_264, %dma_start3A_265, %dma_start3A_270] : memref<26x1x1000000xf32, #tpu.memory_space<hbm>> -> memref<1x1x999936xf32, #tpu.memory_space<hbm>>
    %dma_start3A_272 = tpu.memref_squeeze %dma_start3A_271 : memref<1x1x999936xf32, #tpu.memory_space<hbm>> -> memref<999936xf32, #tpu.memory_space<hbm>>
    %dma_start3A_273 = arith.constant 0 : i32
    %dma_start3A_274 = tpu.memref_slice %dma_start3A_272[%dma_start3A_273] : memref<999936xf32, #tpu.memory_space<hbm>> -> memref<999936xf32, #tpu.memory_space<hbm>>
    tpu.enqueue_indirect_dma source(%dma_start3A_274 : memref<999936xf32, #tpu.memory_space<hbm>>) target(%dma_start3A_267 : memref<512xf32, #tpu.memory_space<vmem>>) offsets(%dma_start3A_269 : memref<512xi32, #tpu.memory_space<vmem>>) semaphore(%arg8 : memref<!tpu.dma_semaphore, #tpu.memory_space<semaphore_mem>>)
    %dma_wait3A_275 = arith.constant 2 : i32
    %dma_wait3A_276 = arith.constant 1024 : i32
    %dma_wait3A_277 = tpu.memref_slice %arg5[%dma_wait3A_276] : memref<13312xi32, #tpu.memory_space<vmem>> -> memref<512xi32, #tpu.memory_space<vmem>>
    %dma_wait3A_278 = tpu.memref_slice %arg2[%dma_wait3A_275, %mul3A_2] : memref<26x16384xi32, #tpu.memory_space<hbm>> -> memref<1x512xi32, #tpu.memory_space<hbm>>
    %dma_wait3A_279 = tpu.memref_squeeze %dma_wait3A_278 : memref<1x512xi32, #tpu.memory_space<hbm>> -> memref<512xi32, #tpu.memory_space<hbm>>
    %dma_wait3A_280 = arith.constant 1024 : i32
    %dma_wait3A_281 = tpu.memref_slice %arg5[%dma_wait3A_280] : memref<13312xi32, #tpu.memory_space<vmem>> -> memref<512xi32, #tpu.memory_space<vmem>>
    %dma_wait3A_282 = tpu.memref_slice %arg2[%dma_wait3A_275, %mul3A_2] : memref<26x16384xi32, #tpu.memory_space<hbm>> -> memref<1x512xi32, #tpu.memory_space<hbm>>
    %dma_wait3A_283 = tpu.memref_squeeze %dma_wait3A_282 : memref<1x512xi32, #tpu.memory_space<hbm>> -> memref<512xi32, #tpu.memory_space<hbm>>
    tpu.wait_dma2 semaphore(%arg9 : memref<!tpu.dma_semaphore, #tpu.memory_space<semaphore_mem>>) src(%dma_wait3A_283 : memref<512xi32, #tpu.memory_space<hbm>>) dst(%dma_wait3A_281 : memref<512xi32, #tpu.memory_space<vmem>>)
    %dma_start3A_284 = arith.constant 2 : i32
    %dma_start3A_285 = arith.constant 0 : i32
    %dma_start3A_286 = arith.constant 1024 : i32
    %dma_start3A_287 = tpu.memref_slice %arg6[%dma_start3A_286] : memref<13312xf32, #tpu.memory_space<vmem>> -> memref<512xf32, #tpu.memory_space<vmem>>
    %dma_start3A_288 = arith.constant 1024 : i32
    %dma_start3A_289 = tpu.memref_slice %arg5[%dma_start3A_288] : memref<13312xi32, #tpu.memory_space<vmem>> -> memref<512xi32, #tpu.memory_space<vmem>>
    %dma_start3A_290 = arith.constant 0 : i32
    %dma_start3A_291 = tpu.memref_slice %arg3[%dma_start3A_284, %dma_start3A_285, %dma_start3A_290] : memref<26x1x1000000xf32, #tpu.memory_space<hbm>> -> memref<1x1x999936xf32, #tpu.memory_space<hbm>>
    %dma_start3A_292 = tpu.memref_squeeze %dma_start3A_291 : memref<1x1x999936xf32, #tpu.memory_space<hbm>> -> memref<999936xf32, #tpu.memory_space<hbm>>
    %dma_start3A_293 = arith.constant 0 : i32
    %dma_start3A_294 = tpu.memref_slice %dma_start3A_292[%dma_start3A_293] : memref<999936xf32, #tpu.memory_space<hbm>> -> memref<999936xf32, #tpu.memory_space<hbm>>
    tpu.enqueue_indirect_dma source(%dma_start3A_294 : memref<999936xf32, #tpu.memory_space<hbm>>) target(%dma_start3A_287 : memref<512xf32, #tpu.memory_space<vmem>>) offsets(%dma_start3A_289 : memref<512xi32, #tpu.memory_space<vmem>>) semaphore(%arg8 : memref<!tpu.dma_semaphore, #tpu.memory_space<semaphore_mem>>)
    %dma_wait3A_295 = arith.constant 3 : i32
    %dma_wait3A_296 = arith.constant 1536 : i32
    %dma_wait3A_297 = tpu.memref_slice %arg5[%dma_wait3A_296] : memref<13312xi32, #tpu.memory_space<vmem>> -> memref<512xi32, #tpu.memory_space<vmem>>
    %dma_wait3A_298 = tpu.memref_slice %arg2[%dma_wait3A_295, %mul3A_2] : memref<26x16384xi32, #tpu.memory_space<hbm>> -> memref<1x512xi32, #tpu.memory_space<hbm>>
    %dma_wait3A_299 = tpu.memref_squeeze %dma_wait3A_298 : memref<1x512xi32, #tpu.memory_space<hbm>> -> memref<512xi32, #tpu.memory_space<hbm>>
    %dma_wait3A_300 = arith.constant 1536 : i32
    %dma_wait3A_301 = tpu.memref_slice %arg5[%dma_wait3A_300] : memref<13312xi32, #tpu.memory_space<vmem>> -> memref<512xi32, #tpu.memory_space<vmem>>
    %dma_wait3A_302 = tpu.memref_slice %arg2[%dma_wait3A_295, %mul3A_2] : memref<26x16384xi32, #tpu.memory_space<hbm>> -> memref<1x512xi32, #tpu.memory_space<hbm>>
    %dma_wait3A_303 = tpu.memref_squeeze %dma_wait3A_302 : memref<1x512xi32, #tpu.memory_space<hbm>> -> memref<512xi32, #tpu.memory_space<hbm>>
    tpu.wait_dma2 semaphore(%arg9 : memref<!tpu.dma_semaphore, #tpu.memory_space<semaphore_mem>>) src(%dma_wait3A_303 : memref<512xi32, #tpu.memory_space<hbm>>) dst(%dma_wait3A_301 : memref<512xi32, #tpu.memory_space<vmem>>)
    %dma_start3A_304 = arith.constant 3 : i32
    %dma_start3A_305 = arith.constant 0 : i32
    %dma_start3A_306 = arith.constant 1536 : i32
    %dma_start3A_307 = tpu.memref_slice %arg6[%dma_start3A_306] : memref<13312xf32, #tpu.memory_space<vmem>> -> memref<512xf32, #tpu.memory_space<vmem>>
    %dma_start3A_308 = arith.constant 1536 : i32
    %dma_start3A_309 = tpu.memref_slice %arg5[%dma_start3A_308] : memref<13312xi32, #tpu.memory_space<vmem>> -> memref<512xi32, #tpu.memory_space<vmem>>
    %dma_start3A_310 = arith.constant 0 : i32
    %dma_start3A_311 = tpu.memref_slice %arg3[%dma_start3A_304, %dma_start3A_305, %dma_start3A_310] : memref<26x1x1000000xf32, #tpu.memory_space<hbm>> -> memref<1x1x999936xf32, #tpu.memory_space<hbm>>
    %dma_start3A_312 = tpu.memref_squeeze %dma_start3A_311 : memref<1x1x999936xf32, #tpu.memory_space<hbm>> -> memref<999936xf32, #tpu.memory_space<hbm>>
    %dma_start3A_313 = arith.constant 0 : i32
    %dma_start3A_314 = tpu.memref_slice %dma_start3A_312[%dma_start3A_313] : memref<999936xf32, #tpu.memory_space<hbm>> -> memref<999936xf32, #tpu.memory_space<hbm>>
    tpu.enqueue_indirect_dma source(%dma_start3A_314 : memref<999936xf32, #tpu.memory_space<hbm>>) target(%dma_start3A_307 : memref<512xf32, #tpu.memory_space<vmem>>) offsets(%dma_start3A_309 : memref<512xi32, #tpu.memory_space<vmem>>) semaphore(%arg8 : memref<!tpu.dma_semaphore, #tpu.memory_space<semaphore_mem>>)
    %dma_wait3A_315 = arith.constant 4 : i32
    %dma_wait3A_316 = arith.constant 2048 : i32
    %dma_wait3A_317 = tpu.memref_slice %arg5[%dma_wait3A_316] : memref<13312xi32, #tpu.memory_space<vmem>> -> memref<512xi32, #tpu.memory_space<vmem>>
    %dma_wait3A_318 = tpu.memref_slice %arg2[%dma_wait3A_315, %mul3A_2] : memref<26x16384xi32, #tpu.memory_space<hbm>> -> memref<1x512xi32, #tpu.memory_space<hbm>>
    %dma_wait3A_319 = tpu.memref_squeeze %dma_wait3A_318 : memref<1x512xi32, #tpu.memory_space<hbm>> -> memref<512xi32, #tpu.memory_space<hbm>>
    %dma_wait3A_320 = arith.constant 2048 : i32
    %dma_wait3A_321 = tpu.memref_slice %arg5[%dma_wait3A_320] : memref<13312xi32, #tpu.memory_space<vmem>> -> memref<512xi32, #tpu.memory_space<vmem>>
    %dma_wait3A_322 = tpu.memref_slice %arg2[%dma_wait3A_315, %mul3A_2] : memref<26x16384xi32, #tpu.memory_space<hbm>> -> memref<1x512xi32, #tpu.memory_space<hbm>>
    %dma_wait3A_323 = tpu.memref_squeeze %dma_wait3A_322 : memref<1x512xi32, #tpu.memory_space<hbm>> -> memref<512xi32, #tpu.memory_space<hbm>>
    tpu.wait_dma2 semaphore(%arg9 : memref<!tpu.dma_semaphore, #tpu.memory_space<semaphore_mem>>) src(%dma_wait3A_323 : memref<512xi32, #tpu.memory_space<hbm>>) dst(%dma_wait3A_321 : memref<512xi32, #tpu.memory_space<vmem>>)
    %dma_start3A_324 = arith.constant 4 : i32
    %dma_start3A_325 = arith.constant 0 : i32
    %dma_start3A_326 = arith.constant 2048 : i32
    %dma_start3A_327 = tpu.memref_slice %arg6[%dma_start3A_326] : memref<13312xf32, #tpu.memory_space<vmem>> -> memref<512xf32, #tpu.memory_space<vmem>>
    %dma_start3A_328 = arith.constant 2048 : i32
    %dma_start3A_329 = tpu.memref_slice %arg5[%dma_start3A_328] : memref<13312xi32, #tpu.memory_space<vmem>> -> memref<512xi32, #tpu.memory_space<vmem>>
    %dma_start3A_330 = arith.constant 0 : i32
    %dma_start3A_331 = tpu.memref_slice %arg3[%dma_start3A_324, %dma_start3A_325, %dma_start3A_330] : memref<26x1x1000000xf32, #tpu.memory_space<hbm>> -> memref<1x1x999936xf32, #tpu.memory_space<hbm>>
    %dma_start3A_332 = tpu.memref_squeeze %dma_start3A_331 : memref<1x1x999936xf32, #tpu.memory_space<hbm>> -> memref<999936xf32, #tpu.memory_space<hbm>>
    %dma_start3A_333 = arith.constant 0 : i32
    %dma_start3A_334 = tpu.memref_slice %dma_start3A_332[%dma_start3A_333] : memref<999936xf32, #tpu.memory_space<hbm>> -> memref<999936xf32, #tpu.memory_space<hbm>>
    tpu.enqueue_indirect_dma source(%dma_start3A_334 : memref<999936xf32, #tpu.memory_space<hbm>>) target(%dma_start3A_327 : memref<512xf32, #tpu.memory_space<vmem>>) offsets(%dma_start3A_329 : memref<512xi32, #tpu.memory_space<vmem>>) semaphore(%arg8 : memref<!tpu.dma_semaphore, #tpu.memory_space<semaphore_mem>>)
    %dma_wait3A_335 = arith.constant 5 : i32
    %dma_wait3A_336 = arith.constant 2560 : i32
    %dma_wait3A_337 = tpu.memref_slice %arg5[%dma_wait3A_336] : memref<13312xi32, #tpu.memory_space<vmem>> -> memref<512xi32, #tpu.memory_space<vmem>>
    %dma_wait3A_338 = tpu.memref_slice %arg2[%dma_wait3A_335, %mul3A_2] : memref<26x16384xi32, #tpu.memory_space<hbm>> -> memref<1x512xi32, #tpu.memory_space<hbm>>
    %dma_wait3A_339 = tpu.memref_squeeze %dma_wait3A_338 : memref<1x512xi32, #tpu.memory_space<hbm>> -> memref<512xi32, #tpu.memory_space<hbm>>
    %dma_wait3A_340 = arith.constant 2560 : i32
    %dma_wait3A_341 = tpu.memref_slice %arg5[%dma_wait3A_340] : memref<13312xi32, #tpu.memory_space<vmem>> -> memref<512xi32, #tpu.memory_space<vmem>>
    %dma_wait3A_342 = tpu.memref_slice %arg2[%dma_wait3A_335, %mul3A_2] : memref<26x16384xi32, #tpu.memory_space<hbm>> -> memref<1x512xi32, #tpu.memory_space<hbm>>
    %dma_wait3A_343 = tpu.memref_squeeze %dma_wait3A_342 : memref<1x512xi32, #tpu.memory_space<hbm>> -> memref<512xi32, #tpu.memory_space<hbm>>
    tpu.wait_dma2 semaphore(%arg9 : memref<!tpu.dma_semaphore, #tpu.memory_space<semaphore_mem>>) src(%dma_wait3A_343 : memref<512xi32, #tpu.memory_space<hbm>>) dst(%dma_wait3A_341 : memref<512xi32, #tpu.memory_space<vmem>>)
    %dma_start3A_344 = arith.constant 5 : i32
    %dma_start3A_345 = arith.constant 0 : i32
    %dma_start3A_346 = arith.constant 2560 : i32
    %dma_start3A_347 = tpu.memref_slice %arg6[%dma_start3A_346] : memref<13312xf32, #tpu.memory_space<vmem>> -> memref<512xf32, #tpu.memory_space<vmem>>
    %dma_start3A_348 = arith.constant 2560 : i32
    %dma_start3A_349 = tpu.memref_slice %arg5[%dma_start3A_348] : memref<13312xi32, #tpu.memory_space<vmem>> -> memref<512xi32, #tpu.memory_space<vmem>>
    %dma_start3A_350 = arith.constant 0 : i32
    %dma_start3A_351 = tpu.memref_slice %arg3[%dma_start3A_344, %dma_start3A_345, %dma_start3A_350] : memref<26x1x1000000xf32, #tpu.memory_space<hbm>> -> memref<1x1x999936xf32, #tpu.memory_space<hbm>>
    %dma_start3A_352 = tpu.memref_squeeze %dma_start3A_351 : memref<1x1x999936xf32, #tpu.memory_space<hbm>> -> memref<999936xf32, #tpu.memory_space<hbm>>
    %dma_start3A_353 = arith.constant 0 : i32
    %dma_start3A_354 = tpu.memref_slice %dma_start3A_352[%dma_start3A_353] : memref<999936xf32, #tpu.memory_space<hbm>> -> memref<999936xf32, #tpu.memory_space<hbm>>
    tpu.enqueue_indirect_dma source(%dma_start3A_354 : memref<999936xf32, #tpu.memory_space<hbm>>) target(%dma_start3A_347 : memref<512xf32, #tpu.memory_space<vmem>>) offsets(%dma_start3A_349 : memref<512xi32, #tpu.memory_space<vmem>>) semaphore(%arg8 : memref<!tpu.dma_semaphore, #tpu.memory_space<semaphore_mem>>)
    %dma_wait3A_355 = arith.constant 6 : i32
    %dma_wait3A_356 = arith.constant 3072 : i32
    %dma_wait3A_357 = tpu.memref_slice %arg5[%dma_wait3A_356] : memref<13312xi32, #tpu.memory_space<vmem>> -> memref<512xi32, #tpu.memory_space<vmem>>
    %dma_wait3A_358 = tpu.memref_slice %arg2[%dma_wait3A_355, %mul3A_2] : memref<26x16384xi32, #tpu.memory_space<hbm>> -> memref<1x512xi32, #tpu.memory_space<hbm>>
    %dma_wait3A_359 = tpu.memref_squeeze %dma_wait3A_358 : memref<1x512xi32, #tpu.memory_space<hbm>> -> memref<512xi32, #tpu.memory_space<hbm>>
    %dma_wait3A_360 = arith.constant 3072 : i32
    %dma_wait3A_361 = tpu.memref_slice %arg5[%dma_wait3A_360] : memref<13312xi32, #tpu.memory_space<vmem>> -> memref<512xi32, #tpu.memory_space<vmem>>
    %dma_wait3A_362 = tpu.memref_slice %arg2[%dma_wait3A_355, %mul3A_2] : memref<26x16384xi32, #tpu.memory_space<hbm>> -> memref<1x512xi32, #tpu.memory_space<hbm>>
    %dma_wait3A_363 = tpu.memref_squeeze %dma_wait3A_362 : memref<1x512xi32, #tpu.memory_space<hbm>> -> memref<512xi32, #tpu.memory_space<hbm>>
    tpu.wait_dma2 semaphore(%arg9 : memref<!tpu.dma_semaphore, #tpu.memory_space<semaphore_mem>>) src(%dma_wait3A_363 : memref<512xi32, #tpu.memory_space<hbm>>) dst(%dma_wait3A_361 : memref<512xi32, #tpu.memory_space<vmem>>)
    %dma_start3A_364 = arith.constant 6 : i32
    %dma_start3A_365 = arith.constant 0 : i32
    %dma_start3A_366 = arith.constant 3072 : i32
    %dma_start3A_367 = tpu.memref_slice %arg6[%dma_start3A_366] : memref<13312xf32, #tpu.memory_space<vmem>> -> memref<512xf32, #tpu.memory_space<vmem>>
    %dma_start3A_368 = arith.constant 3072 : i32
    %dma_start3A_369 = tpu.memref_slice %arg5[%dma_start3A_368] : memref<13312xi32, #tpu.memory_space<vmem>> -> memref<512xi32, #tpu.memory_space<vmem>>
    %dma_start3A_370 = arith.constant 0 : i32
    %dma_start3A_371 = tpu.memref_slice %arg3[%dma_start3A_364, %dma_start3A_365, %dma_start3A_370] : memref<26x1x1000000xf32, #tpu.memory_space<hbm>> -> memref<1x1x999936xf32, #tpu.memory_space<hbm>>
    %dma_start3A_372 = tpu.memref_squeeze %dma_start3A_371 : memref<1x1x999936xf32, #tpu.memory_space<hbm>> -> memref<999936xf32, #tpu.memory_space<hbm>>
    %dma_start3A_373 = arith.constant 0 : i32
    %dma_start3A_374 = tpu.memref_slice %dma_start3A_372[%dma_start3A_373] : memref<999936xf32, #tpu.memory_space<hbm>> -> memref<999936xf32, #tpu.memory_space<hbm>>
    tpu.enqueue_indirect_dma source(%dma_start3A_374 : memref<999936xf32, #tpu.memory_space<hbm>>) target(%dma_start3A_367 : memref<512xf32, #tpu.memory_space<vmem>>) offsets(%dma_start3A_369 : memref<512xi32, #tpu.memory_space<vmem>>) semaphore(%arg8 : memref<!tpu.dma_semaphore, #tpu.memory_space<semaphore_mem>>)
    %dma_wait3A_375 = arith.constant 7 : i32
    %dma_wait3A_376 = arith.constant 3584 : i32
    %dma_wait3A_377 = tpu.memref_slice %arg5[%dma_wait3A_376] : memref<13312xi32, #tpu.memory_space<vmem>> -> memref<512xi32, #tpu.memory_space<vmem>>
    %dma_wait3A_378 = tpu.memref_slice %arg2[%dma_wait3A_375, %mul3A_2] : memref<26x16384xi32, #tpu.memory_space<hbm>> -> memref<1x512xi32, #tpu.memory_space<hbm>>
    %dma_wait3A_379 = tpu.memref_squeeze %dma_wait3A_378 : memref<1x512xi32, #tpu.memory_space<hbm>> -> memref<512xi32, #tpu.memory_space<hbm>>
    %dma_wait3A_380 = arith.constant 3584 : i32
    %dma_wait3A_381 = tpu.memref_slice %arg5[%dma_wait3A_380] : memref<13312xi32, #tpu.memory_space<vmem>> -> memref<512xi32, #tpu.memory_space<vmem>>
    %dma_wait3A_382 = tpu.memref_slice %arg2[%dma_wait3A_375, %mul3A_2] : memref<26x16384xi32, #tpu.memory_space<hbm>> -> memref<1x512xi32, #tpu.memory_space<hbm>>
    %dma_wait3A_383 = tpu.memref_squeeze %dma_wait3A_382 : memref<1x512xi32, #tpu.memory_space<hbm>> -> memref<512xi32, #tpu.memory_space<hbm>>
    tpu.wait_dma2 semaphore(%arg9 : memref<!tpu.dma_semaphore, #tpu.memory_space<semaphore_mem>>) src(%dma_wait3A_383 : memref<512xi32, #tpu.memory_space<hbm>>) dst(%dma_wait3A_381 : memref<512xi32, #tpu.memory_space<vmem>>)
    %dma_start3A_384 = arith.constant 7 : i32
    %dma_start3A_385 = arith.constant 0 : i32
    %dma_start3A_386 = arith.constant 3584 : i32
    %dma_start3A_387 = tpu.memref_slice %arg6[%dma_start3A_386] : memref<13312xf32, #tpu.memory_space<vmem>> -> memref<512xf32, #tpu.memory_space<vmem>>
    %dma_start3A_388 = arith.constant 3584 : i32
    %dma_start3A_389 = tpu.memref_slice %arg5[%dma_start3A_388] : memref<13312xi32, #tpu.memory_space<vmem>> -> memref<512xi32, #tpu.memory_space<vmem>>
    %dma_start3A_390 = arith.constant 0 : i32
    %dma_start3A_391 = tpu.memref_slice %arg3[%dma_start3A_384, %dma_start3A_385, %dma_start3A_390] : memref<26x1x1000000xf32, #tpu.memory_space<hbm>> -> memref<1x1x999936xf32, #tpu.memory_space<hbm>>
    %dma_start3A_392 = tpu.memref_squeeze %dma_start3A_391 : memref<1x1x999936xf32, #tpu.memory_space<hbm>> -> memref<999936xf32, #tpu.memory_space<hbm>>
    %dma_start3A_393 = arith.constant 0 : i32
    %dma_start3A_394 = tpu.memref_slice %dma_start3A_392[%dma_start3A_393] : memref<999936xf32, #tpu.memory_space<hbm>> -> memref<999936xf32, #tpu.memory_space<hbm>>
    tpu.enqueue_indirect_dma source(%dma_start3A_394 : memref<999936xf32, #tpu.memory_space<hbm>>) target(%dma_start3A_387 : memref<512xf32, #tpu.memory_space<vmem>>) offsets(%dma_start3A_389 : memref<512xi32, #tpu.memory_space<vmem>>) semaphore(%arg8 : memref<!tpu.dma_semaphore, #tpu.memory_space<semaphore_mem>>)
    %dma_wait3A_395 = arith.constant 8 : i32
    %dma_wait3A_396 = arith.constant 4096 : i32
    %dma_wait3A_397 = tpu.memref_slice %arg5[%dma_wait3A_396] : memref<13312xi32, #tpu.memory_space<vmem>> -> memref<512xi32, #tpu.memory_space<vmem>>
    %dma_wait3A_398 = tpu.memref_slice %arg2[%dma_wait3A_395, %mul3A_2] : memref<26x16384xi32, #tpu.memory_space<hbm>> -> memref<1x512xi32, #tpu.memory_space<hbm>>
    %dma_wait3A_399 = tpu.memref_squeeze %dma_wait3A_398 : memref<1x512xi32, #tpu.memory_space<hbm>> -> memref<512xi32, #tpu.memory_space<hbm>>
    %dma_wait3A_400 = arith.constant 4096 : i32
    %dma_wait3A_401 = tpu.memref_slice %arg5[%dma_wait3A_400] : memref<13312xi32, #tpu.memory_space<vmem>> -> memref<512xi32, #tpu.memory_space<vmem>>
    %dma_wait3A_402 = tpu.memref_slice %arg2[%dma_wait3A_395, %mul3A_2] : memref<26x16384xi32, #tpu.memory_space<hbm>> -> memref<1x512xi32, #tpu.memory_space<hbm>>
    %dma_wait3A_403 = tpu.memref_squeeze %dma_wait3A_402 : memref<1x512xi32, #tpu.memory_space<hbm>> -> memref<512xi32, #tpu.memory_space<hbm>>
    tpu.wait_dma2 semaphore(%arg9 : memref<!tpu.dma_semaphore, #tpu.memory_space<semaphore_mem>>) src(%dma_wait3A_403 : memref<512xi32, #tpu.memory_space<hbm>>) dst(%dma_wait3A_401 : memref<512xi32, #tpu.memory_space<vmem>>)
    %dma_start3A_404 = arith.constant 8 : i32
    %dma_start3A_405 = arith.constant 0 : i32
    %dma_start3A_406 = arith.constant 4096 : i32
    %dma_start3A_407 = tpu.memref_slice %arg6[%dma_start3A_406] : memref<13312xf32, #tpu.memory_space<vmem>> -> memref<512xf32, #tpu.memory_space<vmem>>
    %dma_start3A_408 = arith.constant 4096 : i32
    %dma_start3A_409 = tpu.memref_slice %arg5[%dma_start3A_408] : memref<13312xi32, #tpu.memory_space<vmem>> -> memref<512xi32, #tpu.memory_space<vmem>>
    %dma_start3A_410 = arith.constant 0 : i32
    %dma_start3A_411 = tpu.memref_slice %arg3[%dma_start3A_404, %dma_start3A_405, %dma_start3A_410] : memref<26x1x1000000xf32, #tpu.memory_space<hbm>> -> memref<1x1x999936xf32, #tpu.memory_space<hbm>>
    %dma_start3A_412 = tpu.memref_squeeze %dma_start3A_411 : memref<1x1x999936xf32, #tpu.memory_space<hbm>> -> memref<999936xf32, #tpu.memory_space<hbm>>
    %dma_start3A_413 = arith.constant 0 : i32
    %dma_start3A_414 = tpu.memref_slice %dma_start3A_412[%dma_start3A_413] : memref<999936xf32, #tpu.memory_space<hbm>> -> memref<999936xf32, #tpu.memory_space<hbm>>
    tpu.enqueue_indirect_dma source(%dma_start3A_414 : memref<999936xf32, #tpu.memory_space<hbm>>) target(%dma_start3A_407 : memref<512xf32, #tpu.memory_space<vmem>>) offsets(%dma_start3A_409 : memref<512xi32, #tpu.memory_space<vmem>>) semaphore(%arg8 : memref<!tpu.dma_semaphore, #tpu.memory_space<semaphore_mem>>)
    %dma_wait3A_415 = arith.constant 9 : i32
    %dma_wait3A_416 = arith.constant 4608 : i32
    %dma_wait3A_417 = tpu.memref_slice %arg5[%dma_wait3A_416] : memref<13312xi32, #tpu.memory_space<vmem>> -> memref<512xi32, #tpu.memory_space<vmem>>
    %dma_wait3A_418 = tpu.memref_slice %arg2[%dma_wait3A_415, %mul3A_2] : memref<26x16384xi32, #tpu.memory_space<hbm>> -> memref<1x512xi32, #tpu.memory_space<hbm>>
    %dma_wait3A_419 = tpu.memref_squeeze %dma_wait3A_418 : memref<1x512xi32, #tpu.memory_space<hbm>> -> memref<512xi32, #tpu.memory_space<hbm>>
    %dma_wait3A_420 = arith.constant 4608 : i32
    %dma_wait3A_421 = tpu.memref_slice %arg5[%dma_wait3A_420] : memref<13312xi32, #tpu.memory_space<vmem>> -> memref<512xi32, #tpu.memory_space<vmem>>
    %dma_wait3A_422 = tpu.memref_slice %arg2[%dma_wait3A_415, %mul3A_2] : memref<26x16384xi32, #tpu.memory_space<hbm>> -> memref<1x512xi32, #tpu.memory_space<hbm>>
    %dma_wait3A_423 = tpu.memref_squeeze %dma_wait3A_422 : memref<1x512xi32, #tpu.memory_space<hbm>> -> memref<512xi32, #tpu.memory_space<hbm>>
    tpu.wait_dma2 semaphore(%arg9 : memref<!tpu.dma_semaphore, #tpu.memory_space<semaphore_mem>>) src(%dma_wait3A_423 : memref<512xi32, #tpu.memory_space<hbm>>) dst(%dma_wait3A_421 : memref<512xi32, #tpu.memory_space<vmem>>)
    %dma_start3A_424 = arith.constant 9 : i32
    %dma_start3A_425 = arith.constant 0 : i32
    %dma_start3A_426 = arith.constant 4608 : i32
    %dma_start3A_427 = tpu.memref_slice %arg6[%dma_start3A_426] : memref<13312xf32, #tpu.memory_space<vmem>> -> memref<512xf32, #tpu.memory_space<vmem>>
    %dma_start3A_428 = arith.constant 4608 : i32
    %dma_start3A_429 = tpu.memref_slice %arg5[%dma_start3A_428] : memref<13312xi32, #tpu.memory_space<vmem>> -> memref<512xi32, #tpu.memory_space<vmem>>
    %dma_start3A_430 = arith.constant 0 : i32
    %dma_start3A_431 = tpu.memref_slice %arg3[%dma_start3A_424, %dma_start3A_425, %dma_start3A_430] : memref<26x1x1000000xf32, #tpu.memory_space<hbm>> -> memref<1x1x999936xf32, #tpu.memory_space<hbm>>
    %dma_start3A_432 = tpu.memref_squeeze %dma_start3A_431 : memref<1x1x999936xf32, #tpu.memory_space<hbm>> -> memref<999936xf32, #tpu.memory_space<hbm>>
    %dma_start3A_433 = arith.constant 0 : i32
    %dma_start3A_434 = tpu.memref_slice %dma_start3A_432[%dma_start3A_433] : memref<999936xf32, #tpu.memory_space<hbm>> -> memref<999936xf32, #tpu.memory_space<hbm>>
    tpu.enqueue_indirect_dma source(%dma_start3A_434 : memref<999936xf32, #tpu.memory_space<hbm>>) target(%dma_start3A_427 : memref<512xf32, #tpu.memory_space<vmem>>) offsets(%dma_start3A_429 : memref<512xi32, #tpu.memory_space<vmem>>) semaphore(%arg8 : memref<!tpu.dma_semaphore, #tpu.memory_space<semaphore_mem>>)
    %dma_wait3A_435 = arith.constant 10 : i32
    %dma_wait3A_436 = arith.constant 5120 : i32
    %dma_wait3A_437 = tpu.memref_slice %arg5[%dma_wait3A_436] : memref<13312xi32, #tpu.memory_space<vmem>> -> memref<512xi32, #tpu.memory_space<vmem>>
    %dma_wait3A_438 = tpu.memref_slice %arg2[%dma_wait3A_435, %mul3A_2] : memref<26x16384xi32, #tpu.memory_space<hbm>> -> memref<1x512xi32, #tpu.memory_space<hbm>>
    %dma_wait3A_439 = tpu.memref_squeeze %dma_wait3A_438 : memref<1x512xi32, #tpu.memory_space<hbm>> -> memref<512xi32, #tpu.memory_space<hbm>>
    %dma_wait3A_440 = arith.constant 5120 : i32
    %dma_wait3A_441 = tpu.memref_slice %arg5[%dma_wait3A_440] : memref<13312xi32, #tpu.memory_space<vmem>> -> memref<512xi32, #tpu.memory_space<vmem>>
    %dma_wait3A_442 = tpu.memref_slice %arg2[%dma_wait3A_435, %mul3A_2] : memref<26x16384xi32, #tpu.memory_space<hbm>> -> memref<1x512xi32, #tpu.memory_space<hbm>>
    %dma_wait3A_443 = tpu.memref_squeeze %dma_wait3A_442 : memref<1x512xi32, #tpu.memory_space<hbm>> -> memref<512xi32, #tpu.memory_space<hbm>>
    tpu.wait_dma2 semaphore(%arg9 : memref<!tpu.dma_semaphore, #tpu.memory_space<semaphore_mem>>) src(%dma_wait3A_443 : memref<512xi32, #tpu.memory_space<hbm>>) dst(%dma_wait3A_441 : memref<512xi32, #tpu.memory_space<vmem>>)
    %dma_start3A_444 = arith.constant 10 : i32
    %dma_start3A_445 = arith.constant 0 : i32
    %dma_start3A_446 = arith.constant 5120 : i32
    %dma_start3A_447 = tpu.memref_slice %arg6[%dma_start3A_446] : memref<13312xf32, #tpu.memory_space<vmem>> -> memref<512xf32, #tpu.memory_space<vmem>>
    %dma_start3A_448 = arith.constant 5120 : i32
    %dma_start3A_449 = tpu.memref_slice %arg5[%dma_start3A_448] : memref<13312xi32, #tpu.memory_space<vmem>> -> memref<512xi32, #tpu.memory_space<vmem>>
    %dma_start3A_450 = arith.constant 0 : i32
    %dma_start3A_451 = tpu.memref_slice %arg3[%dma_start3A_444, %dma_start3A_445, %dma_start3A_450] : memref<26x1x1000000xf32, #tpu.memory_space<hbm>> -> memref<1x1x999936xf32, #tpu.memory_space<hbm>>
    %dma_start3A_452 = tpu.memref_squeeze %dma_start3A_451 : memref<1x1x999936xf32, #tpu.memory_space<hbm>> -> memref<999936xf32, #tpu.memory_space<hbm>>
    %dma_start3A_453 = arith.constant 0 : i32
    %dma_start3A_454 = tpu.memref_slice %dma_start3A_452[%dma_start3A_453] : memref<999936xf32, #tpu.memory_space<hbm>> -> memref<999936xf32, #tpu.memory_space<hbm>>
    tpu.enqueue_indirect_dma source(%dma_start3A_454 : memref<999936xf32, #tpu.memory_space<hbm>>) target(%dma_start3A_447 : memref<512xf32, #tpu.memory_space<vmem>>) offsets(%dma_start3A_449 : memref<512xi32, #tpu.memory_space<vmem>>) semaphore(%arg8 : memref<!tpu.dma_semaphore, #tpu.memory_space<semaphore_mem>>)
    %dma_wait3A_455 = arith.constant 11 : i32
    %dma_wait3A_456 = arith.constant 5632 : i32
    %dma_wait3A_457 = tpu.memref_slice %arg5[%dma_wait3A_456] : memref<13312xi32, #tpu.memory_space<vmem>> -> memref<512xi32, #tpu.memory_space<vmem>>
    %dma_wait3A_458 = tpu.memref_slice %arg2[%dma_wait3A_455, %mul3A_2] : memref<26x16384xi32, #tpu.memory_space<hbm>> -> memref<1x512xi32, #tpu.memory_space<hbm>>
    %dma_wait3A_459 = tpu.memref_squeeze %dma_wait3A_458 : memref<1x512xi32, #tpu.memory_space<hbm>> -> memref<512xi32, #tpu.memory_space<hbm>>
    %dma_wait3A_460 = arith.constant 5632 : i32
    %dma_wait3A_461 = tpu.memref_slice %arg5[%dma_wait3A_460] : memref<13312xi32, #tpu.memory_space<vmem>> -> memref<512xi32, #tpu.memory_space<vmem>>
    %dma_wait3A_462 = tpu.memref_slice %arg2[%dma_wait3A_455, %mul3A_2] : memref<26x16384xi32, #tpu.memory_space<hbm>> -> memref<1x512xi32, #tpu.memory_space<hbm>>
    %dma_wait3A_463 = tpu.memref_squeeze %dma_wait3A_462 : memref<1x512xi32, #tpu.memory_space<hbm>> -> memref<512xi32, #tpu.memory_space<hbm>>
    tpu.wait_dma2 semaphore(%arg9 : memref<!tpu.dma_semaphore, #tpu.memory_space<semaphore_mem>>) src(%dma_wait3A_463 : memref<512xi32, #tpu.memory_space<hbm>>) dst(%dma_wait3A_461 : memref<512xi32, #tpu.memory_space<vmem>>)
    %dma_start3A_464 = arith.constant 11 : i32
    %dma_start3A_465 = arith.constant 0 : i32
    %dma_start3A_466 = arith.constant 5632 : i32
    %dma_start3A_467 = tpu.memref_slice %arg6[%dma_start3A_466] : memref<13312xf32, #tpu.memory_space<vmem>> -> memref<512xf32, #tpu.memory_space<vmem>>
    %dma_start3A_468 = arith.constant 5632 : i32
    %dma_start3A_469 = tpu.memref_slice %arg5[%dma_start3A_468] : memref<13312xi32, #tpu.memory_space<vmem>> -> memref<512xi32, #tpu.memory_space<vmem>>
    %dma_start3A_470 = arith.constant 0 : i32
    %dma_start3A_471 = tpu.memref_slice %arg3[%dma_start3A_464, %dma_start3A_465, %dma_start3A_470] : memref<26x1x1000000xf32, #tpu.memory_space<hbm>> -> memref<1x1x999936xf32, #tpu.memory_space<hbm>>
    %dma_start3A_472 = tpu.memref_squeeze %dma_start3A_471 : memref<1x1x999936xf32, #tpu.memory_space<hbm>> -> memref<999936xf32, #tpu.memory_space<hbm>>
    %dma_start3A_473 = arith.constant 0 : i32
    %dma_start3A_474 = tpu.memref_slice %dma_start3A_472[%dma_start3A_473] : memref<999936xf32, #tpu.memory_space<hbm>> -> memref<999936xf32, #tpu.memory_space<hbm>>
    tpu.enqueue_indirect_dma source(%dma_start3A_474 : memref<999936xf32, #tpu.memory_space<hbm>>) target(%dma_start3A_467 : memref<512xf32, #tpu.memory_space<vmem>>) offsets(%dma_start3A_469 : memref<512xi32, #tpu.memory_space<vmem>>) semaphore(%arg8 : memref<!tpu.dma_semaphore, #tpu.memory_space<semaphore_mem>>)
    %dma_wait3A_475 = arith.constant 12 : i32
    %dma_wait3A_476 = arith.constant 6144 : i32
    %dma_wait3A_477 = tpu.memref_slice %arg5[%dma_wait3A_476] : memref<13312xi32, #tpu.memory_space<vmem>> -> memref<512xi32, #tpu.memory_space<vmem>>
    %dma_wait3A_478 = tpu.memref_slice %arg2[%dma_wait3A_475, %mul3A_2] : memref<26x16384xi32, #tpu.memory_space<hbm>> -> memref<1x512xi32, #tpu.memory_space<hbm>>
    %dma_wait3A_479 = tpu.memref_squeeze %dma_wait3A_478 : memref<1x512xi32, #tpu.memory_space<hbm>> -> memref<512xi32, #tpu.memory_space<hbm>>
    %dma_wait3A_480 = arith.constant 6144 : i32
    %dma_wait3A_481 = tpu.memref_slice %arg5[%dma_wait3A_480] : memref<13312xi32, #tpu.memory_space<vmem>> -> memref<512xi32, #tpu.memory_space<vmem>>
    %dma_wait3A_482 = tpu.memref_slice %arg2[%dma_wait3A_475, %mul3A_2] : memref<26x16384xi32, #tpu.memory_space<hbm>> -> memref<1x512xi32, #tpu.memory_space<hbm>>
    %dma_wait3A_483 = tpu.memref_squeeze %dma_wait3A_482 : memref<1x512xi32, #tpu.memory_space<hbm>> -> memref<512xi32, #tpu.memory_space<hbm>>
    tpu.wait_dma2 semaphore(%arg9 : memref<!tpu.dma_semaphore, #tpu.memory_space<semaphore_mem>>) src(%dma_wait3A_483 : memref<512xi32, #tpu.memory_space<hbm>>) dst(%dma_wait3A_481 : memref<512xi32, #tpu.memory_space<vmem>>)
    %dma_start3A_484 = arith.constant 12 : i32
    %dma_start3A_485 = arith.constant 0 : i32
    %dma_start3A_486 = arith.constant 6144 : i32
    %dma_start3A_487 = tpu.memref_slice %arg6[%dma_start3A_486] : memref<13312xf32, #tpu.memory_space<vmem>> -> memref<512xf32, #tpu.memory_space<vmem>>
    %dma_start3A_488 = arith.constant 6144 : i32
    %dma_start3A_489 = tpu.memref_slice %arg5[%dma_start3A_488] : memref<13312xi32, #tpu.memory_space<vmem>> -> memref<512xi32, #tpu.memory_space<vmem>>
    %dma_start3A_490 = arith.constant 0 : i32
    %dma_start3A_491 = tpu.memref_slice %arg3[%dma_start3A_484, %dma_start3A_485, %dma_start3A_490] : memref<26x1x1000000xf32, #tpu.memory_space<hbm>> -> memref<1x1x999936xf32, #tpu.memory_space<hbm>>
    %dma_start3A_492 = tpu.memref_squeeze %dma_start3A_491 : memref<1x1x999936xf32, #tpu.memory_space<hbm>> -> memref<999936xf32, #tpu.memory_space<hbm>>
    %dma_start3A_493 = arith.constant 0 : i32
    %dma_start3A_494 = tpu.memref_slice %dma_start3A_492[%dma_start3A_493] : memref<999936xf32, #tpu.memory_space<hbm>> -> memref<999936xf32, #tpu.memory_space<hbm>>
    tpu.enqueue_indirect_dma source(%dma_start3A_494 : memref<999936xf32, #tpu.memory_space<hbm>>) target(%dma_start3A_487 : memref<512xf32, #tpu.memory_space<vmem>>) offsets(%dma_start3A_489 : memref<512xi32, #tpu.memory_space<vmem>>) semaphore(%arg8 : memref<!tpu.dma_semaphore, #tpu.memory_space<semaphore_mem>>)
    %dma_wait3A_495 = arith.constant 13 : i32
    %dma_wait3A_496 = arith.constant 6656 : i32
    %dma_wait3A_497 = tpu.memref_slice %arg5[%dma_wait3A_496] : memref<13312xi32, #tpu.memory_space<vmem>> -> memref<512xi32, #tpu.memory_space<vmem>>
    %dma_wait3A_498 = tpu.memref_slice %arg2[%dma_wait3A_495, %mul3A_2] : memref<26x16384xi32, #tpu.memory_space<hbm>> -> memref<1x512xi32, #tpu.memory_space<hbm>>
    %dma_wait3A_499 = tpu.memref_squeeze %dma_wait3A_498 : memref<1x512xi32, #tpu.memory_space<hbm>> -> memref<512xi32, #tpu.memory_space<hbm>>
    %dma_wait3A_500 = arith.constant 6656 : i32
    %dma_wait3A_501 = tpu.memref_slice %arg5[%dma_wait3A_500] : memref<13312xi32, #tpu.memory_space<vmem>> -> memref<512xi32, #tpu.memory_space<vmem>>
    %dma_wait3A_502 = tpu.memref_slice %arg2[%dma_wait3A_495, %mul3A_2] : memref<26x16384xi32, #tpu.memory_space<hbm>> -> memref<1x512xi32, #tpu.memory_space<hbm>>
    %dma_wait3A_503 = tpu.memref_squeeze %dma_wait3A_502 : memref<1x512xi32, #tpu.memory_space<hbm>> -> memref<512xi32, #tpu.memory_space<hbm>>
    tpu.wait_dma2 semaphore(%arg9 : memref<!tpu.dma_semaphore, #tpu.memory_space<semaphore_mem>>) src(%dma_wait3A_503 : memref<512xi32, #tpu.memory_space<hbm>>) dst(%dma_wait3A_501 : memref<512xi32, #tpu.memory_space<vmem>>)
    %dma_start3A_504 = arith.constant 13 : i32
    %dma_start3A_505 = arith.constant 0 : i32
    %dma_start3A_506 = arith.constant 6656 : i32
    %dma_start3A_507 = tpu.memref_slice %arg6[%dma_start3A_506] : memref<13312xf32, #tpu.memory_space<vmem>> -> memref<512xf32, #tpu.memory_space<vmem>>
    %dma_start3A_508 = arith.constant 6656 : i32
    %dma_start3A_509 = tpu.memref_slice %arg5[%dma_start3A_508] : memref<13312xi32, #tpu.memory_space<vmem>> -> memref<512xi32, #tpu.memory_space<vmem>>
    %dma_start3A_510 = arith.constant 0 : i32
    %dma_start3A_511 = tpu.memref_slice %arg3[%dma_start3A_504, %dma_start3A_505, %dma_start3A_510] : memref<26x1x1000000xf32, #tpu.memory_space<hbm>> -> memref<1x1x999936xf32, #tpu.memory_space<hbm>>
    %dma_start3A_512 = tpu.memref_squeeze %dma_start3A_511 : memref<1x1x999936xf32, #tpu.memory_space<hbm>> -> memref<999936xf32, #tpu.memory_space<hbm>>
    %dma_start3A_513 = arith.constant 0 : i32
    %dma_start3A_514 = tpu.memref_slice %dma_start3A_512[%dma_start3A_513] : memref<999936xf32, #tpu.memory_space<hbm>> -> memref<999936xf32, #tpu.memory_space<hbm>>
    tpu.enqueue_indirect_dma source(%dma_start3A_514 : memref<999936xf32, #tpu.memory_space<hbm>>) target(%dma_start3A_507 : memref<512xf32, #tpu.memory_space<vmem>>) offsets(%dma_start3A_509 : memref<512xi32, #tpu.memory_space<vmem>>) semaphore(%arg8 : memref<!tpu.dma_semaphore, #tpu.memory_space<semaphore_mem>>)
    %dma_wait3A_515 = arith.constant 14 : i32
    %dma_wait3A_516 = arith.constant 7168 : i32
    %dma_wait3A_517 = tpu.memref_slice %arg5[%dma_wait3A_516] : memref<13312xi32, #tpu.memory_space<vmem>> -> memref<512xi32, #tpu.memory_space<vmem>>
    %dma_wait3A_518 = tpu.memref_slice %arg2[%dma_wait3A_515, %mul3A_2] : memref<26x16384xi32, #tpu.memory_space<hbm>> -> memref<1x512xi32, #tpu.memory_space<hbm>>
    %dma_wait3A_519 = tpu.memref_squeeze %dma_wait3A_518 : memref<1x512xi32, #tpu.memory_space<hbm>> -> memref<512xi32, #tpu.memory_space<hbm>>
    %dma_wait3A_520 = arith.constant 7168 : i32
    %dma_wait3A_521 = tpu.memref_slice %arg5[%dma_wait3A_520] : memref<13312xi32, #tpu.memory_space<vmem>> -> memref<512xi32, #tpu.memory_space<vmem>>
    %dma_wait3A_522 = tpu.memref_slice %arg2[%dma_wait3A_515, %mul3A_2] : memref<26x16384xi32, #tpu.memory_space<hbm>> -> memref<1x512xi32, #tpu.memory_space<hbm>>
    %dma_wait3A_523 = tpu.memref_squeeze %dma_wait3A_522 : memref<1x512xi32, #tpu.memory_space<hbm>> -> memref<512xi32, #tpu.memory_space<hbm>>
    tpu.wait_dma2 semaphore(%arg9 : memref<!tpu.dma_semaphore, #tpu.memory_space<semaphore_mem>>) src(%dma_wait3A_523 : memref<512xi32, #tpu.memory_space<hbm>>) dst(%dma_wait3A_521 : memref<512xi32, #tpu.memory_space<vmem>>)
    %dma_start3A_524 = arith.constant 14 : i32
    %dma_start3A_525 = arith.constant 0 : i32
    %dma_start3A_526 = arith.constant 7168 : i32
    %dma_start3A_527 = tpu.memref_slice %arg6[%dma_start3A_526] : memref<13312xf32, #tpu.memory_space<vmem>> -> memref<512xf32, #tpu.memory_space<vmem>>
    %dma_start3A_528 = arith.constant 7168 : i32
    %dma_start3A_529 = tpu.memref_slice %arg5[%dma_start3A_528] : memref<13312xi32, #tpu.memory_space<vmem>> -> memref<512xi32, #tpu.memory_space<vmem>>
    %dma_start3A_530 = arith.constant 0 : i32
    %dma_start3A_531 = tpu.memref_slice %arg3[%dma_start3A_524, %dma_start3A_525, %dma_start3A_530] : memref<26x1x1000000xf32, #tpu.memory_space<hbm>> -> memref<1x1x999936xf32, #tpu.memory_space<hbm>>
    %dma_start3A_532 = tpu.memref_squeeze %dma_start3A_531 : memref<1x1x999936xf32, #tpu.memory_space<hbm>> -> memref<999936xf32, #tpu.memory_space<hbm>>
    %dma_start3A_533 = arith.constant 0 : i32
    %dma_start3A_534 = tpu.memref_slice %dma_start3A_532[%dma_start3A_533] : memref<999936xf32, #tpu.memory_space<hbm>> -> memref<999936xf32, #tpu.memory_space<hbm>>
    tpu.enqueue_indirect_dma source(%dma_start3A_534 : memref<999936xf32, #tpu.memory_space<hbm>>) target(%dma_start3A_527 : memref<512xf32, #tpu.memory_space<vmem>>) offsets(%dma_start3A_529 : memref<512xi32, #tpu.memory_space<vmem>>) semaphore(%arg8 : memref<!tpu.dma_semaphore, #tpu.memory_space<semaphore_mem>>)
    %dma_wait3A_535 = arith.constant 15 : i32
    %dma_wait3A_536 = arith.constant 7680 : i32
    %dma_wait3A_537 = tpu.memref_slice %arg5[%dma_wait3A_536] : memref<13312xi32, #tpu.memory_space<vmem>> -> memref<512xi32, #tpu.memory_space<vmem>>
    %dma_wait3A_538 = tpu.memref_slice %arg2[%dma_wait3A_535, %mul3A_2] : memref<26x16384xi32, #tpu.memory_space<hbm>> -> memref<1x512xi32, #tpu.memory_space<hbm>>
    %dma_wait3A_539 = tpu.memref_squeeze %dma_wait3A_538 : memref<1x512xi32, #tpu.memory_space<hbm>> -> memref<512xi32, #tpu.memory_space<hbm>>
    %dma_wait3A_540 = arith.constant 7680 : i32
    %dma_wait3A_541 = tpu.memref_slice %arg5[%dma_wait3A_540] : memref<13312xi32, #tpu.memory_space<vmem>> -> memref<512xi32, #tpu.memory_space<vmem>>
    %dma_wait3A_542 = tpu.memref_slice %arg2[%dma_wait3A_535, %mul3A_2] : memref<26x16384xi32, #tpu.memory_space<hbm>> -> memref<1x512xi32, #tpu.memory_space<hbm>>
    %dma_wait3A_543 = tpu.memref_squeeze %dma_wait3A_542 : memref<1x512xi32, #tpu.memory_space<hbm>> -> memref<512xi32, #tpu.memory_space<hbm>>
    tpu.wait_dma2 semaphore(%arg9 : memref<!tpu.dma_semaphore, #tpu.memory_space<semaphore_mem>>) src(%dma_wait3A_543 : memref<512xi32, #tpu.memory_space<hbm>>) dst(%dma_wait3A_541 : memref<512xi32, #tpu.memory_space<vmem>>)
    %dma_start3A_544 = arith.constant 15 : i32
    %dma_start3A_545 = arith.constant 0 : i32
    %dma_start3A_546 = arith.constant 7680 : i32
    %dma_start3A_547 = tpu.memref_slice %arg6[%dma_start3A_546] : memref<13312xf32, #tpu.memory_space<vmem>> -> memref<512xf32, #tpu.memory_space<vmem>>
    %dma_start3A_548 = arith.constant 7680 : i32
    %dma_start3A_549 = tpu.memref_slice %arg5[%dma_start3A_548] : memref<13312xi32, #tpu.memory_space<vmem>> -> memref<512xi32, #tpu.memory_space<vmem>>
    %dma_start3A_550 = arith.constant 0 : i32
    %dma_start3A_551 = tpu.memref_slice %arg3[%dma_start3A_544, %dma_start3A_545, %dma_start3A_550] : memref<26x1x1000000xf32, #tpu.memory_space<hbm>> -> memref<1x1x999936xf32, #tpu.memory_space<hbm>>
    %dma_start3A_552 = tpu.memref_squeeze %dma_start3A_551 : memref<1x1x999936xf32, #tpu.memory_space<hbm>> -> memref<999936xf32, #tpu.memory_space<hbm>>
    %dma_start3A_553 = arith.constant 0 : i32
    %dma_start3A_554 = tpu.memref_slice %dma_start3A_552[%dma_start3A_553] : memref<999936xf32, #tpu.memory_space<hbm>> -> memref<999936xf32, #tpu.memory_space<hbm>>
    tpu.enqueue_indirect_dma source(%dma_start3A_554 : memref<999936xf32, #tpu.memory_space<hbm>>) target(%dma_start3A_547 : memref<512xf32, #tpu.memory_space<vmem>>) offsets(%dma_start3A_549 : memref<512xi32, #tpu.memory_space<vmem>>) semaphore(%arg8 : memref<!tpu.dma_semaphore, #tpu.memory_space<semaphore_mem>>)
    %dma_wait3A_555 = arith.constant 16 : i32
    %dma_wait3A_556 = arith.constant 8192 : i32
    %dma_wait3A_557 = tpu.memref_slice %arg5[%dma_wait3A_556] : memref<13312xi32, #tpu.memory_space<vmem>> -> memref<512xi32, #tpu.memory_space<vmem>>
    %dma_wait3A_558 = tpu.memref_slice %arg2[%dma_wait3A_555, %mul3A_2] : memref<26x16384xi32, #tpu.memory_space<hbm>> -> memref<1x512xi32, #tpu.memory_space<hbm>>
    %dma_wait3A_559 = tpu.memref_squeeze %dma_wait3A_558 : memref<1x512xi32, #tpu.memory_space<hbm>> -> memref<512xi32, #tpu.memory_space<hbm>>
    %dma_wait3A_560 = arith.constant 8192 : i32
    %dma_wait3A_561 = tpu.memref_slice %arg5[%dma_wait3A_560] : memref<13312xi32, #tpu.memory_space<vmem>> -> memref<512xi32, #tpu.memory_space<vmem>>
    %dma_wait3A_562 = tpu.memref_slice %arg2[%dma_wait3A_555, %mul3A_2] : memref<26x16384xi32, #tpu.memory_space<hbm>> -> memref<1x512xi32, #tpu.memory_space<hbm>>
    %dma_wait3A_563 = tpu.memref_squeeze %dma_wait3A_562 : memref<1x512xi32, #tpu.memory_space<hbm>> -> memref<512xi32, #tpu.memory_space<hbm>>
    tpu.wait_dma2 semaphore(%arg9 : memref<!tpu.dma_semaphore, #tpu.memory_space<semaphore_mem>>) src(%dma_wait3A_563 : memref<512xi32, #tpu.memory_space<hbm>>) dst(%dma_wait3A_561 : memref<512xi32, #tpu.memory_space<vmem>>)
    %dma_start3A_564 = arith.constant 16 : i32
    %dma_start3A_565 = arith.constant 0 : i32
    %dma_start3A_566 = arith.constant 8192 : i32
    %dma_start3A_567 = tpu.memref_slice %arg6[%dma_start3A_566] : memref<13312xf32, #tpu.memory_space<vmem>> -> memref<512xf32, #tpu.memory_space<vmem>>
    %dma_start3A_568 = arith.constant 8192 : i32
    %dma_start3A_569 = tpu.memref_slice %arg5[%dma_start3A_568] : memref<13312xi32, #tpu.memory_space<vmem>> -> memref<512xi32, #tpu.memory_space<vmem>>
    %dma_start3A_570 = arith.constant 0 : i32
    %dma_start3A_571 = tpu.memref_slice %arg3[%dma_start3A_564, %dma_start3A_565, %dma_start3A_570] : memref<26x1x1000000xf32, #tpu.memory_space<hbm>> -> memref<1x1x999936xf32, #tpu.memory_space<hbm>>
    %dma_start3A_572 = tpu.memref_squeeze %dma_start3A_571 : memref<1x1x999936xf32, #tpu.memory_space<hbm>> -> memref<999936xf32, #tpu.memory_space<hbm>>
    %dma_start3A_573 = arith.constant 0 : i32
    %dma_start3A_574 = tpu.memref_slice %dma_start3A_572[%dma_start3A_573] : memref<999936xf32, #tpu.memory_space<hbm>> -> memref<999936xf32, #tpu.memory_space<hbm>>
    tpu.enqueue_indirect_dma source(%dma_start3A_574 : memref<999936xf32, #tpu.memory_space<hbm>>) target(%dma_start3A_567 : memref<512xf32, #tpu.memory_space<vmem>>) offsets(%dma_start3A_569 : memref<512xi32, #tpu.memory_space<vmem>>) semaphore(%arg8 : memref<!tpu.dma_semaphore, #tpu.memory_space<semaphore_mem>>)
    %dma_wait3A_575 = arith.constant 17 : i32
    %dma_wait3A_576 = arith.constant 8704 : i32
    %dma_wait3A_577 = tpu.memref_slice %arg5[%dma_wait3A_576] : memref<13312xi32, #tpu.memory_space<vmem>> -> memref<512xi32, #tpu.memory_space<vmem>>
    %dma_wait3A_578 = tpu.memref_slice %arg2[%dma_wait3A_575, %mul3A_2] : memref<26x16384xi32, #tpu.memory_space<hbm>> -> memref<1x512xi32, #tpu.memory_space<hbm>>
    %dma_wait3A_579 = tpu.memref_squeeze %dma_wait3A_578 : memref<1x512xi32, #tpu.memory_space<hbm>> -> memref<512xi32, #tpu.memory_space<hbm>>
    %dma_wait3A_580 = arith.constant 8704 : i32
    %dma_wait3A_581 = tpu.memref_slice %arg5[%dma_wait3A_580] : memref<13312xi32, #tpu.memory_space<vmem>> -> memref<512xi32, #tpu.memory_space<vmem>>
    %dma_wait3A_582 = tpu.memref_slice %arg2[%dma_wait3A_575, %mul3A_2] : memref<26x16384xi32, #tpu.memory_space<hbm>> -> memref<1x512xi32, #tpu.memory_space<hbm>>
    %dma_wait3A_583 = tpu.memref_squeeze %dma_wait3A_582 : memref<1x512xi32, #tpu.memory_space<hbm>> -> memref<512xi32, #tpu.memory_space<hbm>>
    tpu.wait_dma2 semaphore(%arg9 : memref<!tpu.dma_semaphore, #tpu.memory_space<semaphore_mem>>) src(%dma_wait3A_583 : memref<512xi32, #tpu.memory_space<hbm>>) dst(%dma_wait3A_581 : memref<512xi32, #tpu.memory_space<vmem>>)
    %dma_start3A_584 = arith.constant 17 : i32
    %dma_start3A_585 = arith.constant 0 : i32
    %dma_start3A_586 = arith.constant 8704 : i32
    %dma_start3A_587 = tpu.memref_slice %arg6[%dma_start3A_586] : memref<13312xf32, #tpu.memory_space<vmem>> -> memref<512xf32, #tpu.memory_space<vmem>>
    %dma_start3A_588 = arith.constant 8704 : i32
    %dma_start3A_589 = tpu.memref_slice %arg5[%dma_start3A_588] : memref<13312xi32, #tpu.memory_space<vmem>> -> memref<512xi32, #tpu.memory_space<vmem>>
    %dma_start3A_590 = arith.constant 0 : i32
    %dma_start3A_591 = tpu.memref_slice %arg3[%dma_start3A_584, %dma_start3A_585, %dma_start3A_590] : memref<26x1x1000000xf32, #tpu.memory_space<hbm>> -> memref<1x1x999936xf32, #tpu.memory_space<hbm>>
    %dma_start3A_592 = tpu.memref_squeeze %dma_start3A_591 : memref<1x1x999936xf32, #tpu.memory_space<hbm>> -> memref<999936xf32, #tpu.memory_space<hbm>>
    %dma_start3A_593 = arith.constant 0 : i32
    %dma_start3A_594 = tpu.memref_slice %dma_start3A_592[%dma_start3A_593] : memref<999936xf32, #tpu.memory_space<hbm>> -> memref<999936xf32, #tpu.memory_space<hbm>>
    tpu.enqueue_indirect_dma source(%dma_start3A_594 : memref<999936xf32, #tpu.memory_space<hbm>>) target(%dma_start3A_587 : memref<512xf32, #tpu.memory_space<vmem>>) offsets(%dma_start3A_589 : memref<512xi32, #tpu.memory_space<vmem>>) semaphore(%arg8 : memref<!tpu.dma_semaphore, #tpu.memory_space<semaphore_mem>>)
    %dma_wait3A_595 = arith.constant 18 : i32
    %dma_wait3A_596 = arith.constant 9216 : i32
    %dma_wait3A_597 = tpu.memref_slice %arg5[%dma_wait3A_596] : memref<13312xi32, #tpu.memory_space<vmem>> -> memref<512xi32, #tpu.memory_space<vmem>>
    %dma_wait3A_598 = tpu.memref_slice %arg2[%dma_wait3A_595, %mul3A_2] : memref<26x16384xi32, #tpu.memory_space<hbm>> -> memref<1x512xi32, #tpu.memory_space<hbm>>
    %dma_wait3A_599 = tpu.memref_squeeze %dma_wait3A_598 : memref<1x512xi32, #tpu.memory_space<hbm>> -> memref<512xi32, #tpu.memory_space<hbm>>
    %dma_wait3A_600 = arith.constant 9216 : i32
    %dma_wait3A_601 = tpu.memref_slice %arg5[%dma_wait3A_600] : memref<13312xi32, #tpu.memory_space<vmem>> -> memref<512xi32, #tpu.memory_space<vmem>>
    %dma_wait3A_602 = tpu.memref_slice %arg2[%dma_wait3A_595, %mul3A_2] : memref<26x16384xi32, #tpu.memory_space<hbm>> -> memref<1x512xi32, #tpu.memory_space<hbm>>
    %dma_wait3A_603 = tpu.memref_squeeze %dma_wait3A_602 : memref<1x512xi32, #tpu.memory_space<hbm>> -> memref<512xi32, #tpu.memory_space<hbm>>
    tpu.wait_dma2 semaphore(%arg9 : memref<!tpu.dma_semaphore, #tpu.memory_space<semaphore_mem>>) src(%dma_wait3A_603 : memref<512xi32, #tpu.memory_space<hbm>>) dst(%dma_wait3A_601 : memref<512xi32, #tpu.memory_space<vmem>>)
    %dma_start3A_604 = arith.constant 18 : i32
    %dma_start3A_605 = arith.constant 0 : i32
    %dma_start3A_606 = arith.constant 9216 : i32
    %dma_start3A_607 = tpu.memref_slice %arg6[%dma_start3A_606] : memref<13312xf32, #tpu.memory_space<vmem>> -> memref<512xf32, #tpu.memory_space<vmem>>
    %dma_start3A_608 = arith.constant 9216 : i32
    %dma_start3A_609 = tpu.memref_slice %arg5[%dma_start3A_608] : memref<13312xi32, #tpu.memory_space<vmem>> -> memref<512xi32, #tpu.memory_space<vmem>>
    %dma_start3A_610 = arith.constant 0 : i32
    %dma_start3A_611 = tpu.memref_slice %arg3[%dma_start3A_604, %dma_start3A_605, %dma_start3A_610] : memref<26x1x1000000xf32, #tpu.memory_space<hbm>> -> memref<1x1x999936xf32, #tpu.memory_space<hbm>>
    %dma_start3A_612 = tpu.memref_squeeze %dma_start3A_611 : memref<1x1x999936xf32, #tpu.memory_space<hbm>> -> memref<999936xf32, #tpu.memory_space<hbm>>
    %dma_start3A_613 = arith.constant 0 : i32
    %dma_start3A_614 = tpu.memref_slice %dma_start3A_612[%dma_start3A_613] : memref<999936xf32, #tpu.memory_space<hbm>> -> memref<999936xf32, #tpu.memory_space<hbm>>
    tpu.enqueue_indirect_dma source(%dma_start3A_614 : memref<999936xf32, #tpu.memory_space<hbm>>) target(%dma_start3A_607 : memref<512xf32, #tpu.memory_space<vmem>>) offsets(%dma_start3A_609 : memref<512xi32, #tpu.memory_space<vmem>>) semaphore(%arg8 : memref<!tpu.dma_semaphore, #tpu.memory_space<semaphore_mem>>)
    %dma_wait3A_615 = arith.constant 19 : i32
    %dma_wait3A_616 = arith.constant 9728 : i32
    %dma_wait3A_617 = tpu.memref_slice %arg5[%dma_wait3A_616] : memref<13312xi32, #tpu.memory_space<vmem>> -> memref<512xi32, #tpu.memory_space<vmem>>
    %dma_wait3A_618 = tpu.memref_slice %arg2[%dma_wait3A_615, %mul3A_2] : memref<26x16384xi32, #tpu.memory_space<hbm>> -> memref<1x512xi32, #tpu.memory_space<hbm>>
    %dma_wait3A_619 = tpu.memref_squeeze %dma_wait3A_618 : memref<1x512xi32, #tpu.memory_space<hbm>> -> memref<512xi32, #tpu.memory_space<hbm>>
    %dma_wait3A_620 = arith.constant 9728 : i32
    %dma_wait3A_621 = tpu.memref_slice %arg5[%dma_wait3A_620] : memref<13312xi32, #tpu.memory_space<vmem>> -> memref<512xi32, #tpu.memory_space<vmem>>
    %dma_wait3A_622 = tpu.memref_slice %arg2[%dma_wait3A_615, %mul3A_2] : memref<26x16384xi32, #tpu.memory_space<hbm>> -> memref<1x512xi32, #tpu.memory_space<hbm>>
    %dma_wait3A_623 = tpu.memref_squeeze %dma_wait3A_622 : memref<1x512xi32, #tpu.memory_space<hbm>> -> memref<512xi32, #tpu.memory_space<hbm>>
    tpu.wait_dma2 semaphore(%arg9 : memref<!tpu.dma_semaphore, #tpu.memory_space<semaphore_mem>>) src(%dma_wait3A_623 : memref<512xi32, #tpu.memory_space<hbm>>) dst(%dma_wait3A_621 : memref<512xi32, #tpu.memory_space<vmem>>)
    %dma_start3A_624 = arith.constant 19 : i32
    %dma_start3A_625 = arith.constant 0 : i32
    %dma_start3A_626 = arith.constant 9728 : i32
    %dma_start3A_627 = tpu.memref_slice %arg6[%dma_start3A_626] : memref<13312xf32, #tpu.memory_space<vmem>> -> memref<512xf32, #tpu.memory_space<vmem>>
    %dma_start3A_628 = arith.constant 9728 : i32
    %dma_start3A_629 = tpu.memref_slice %arg5[%dma_start3A_628] : memref<13312xi32, #tpu.memory_space<vmem>> -> memref<512xi32, #tpu.memory_space<vmem>>
    %dma_start3A_630 = arith.constant 0 : i32
    %dma_start3A_631 = tpu.memref_slice %arg3[%dma_start3A_624, %dma_start3A_625, %dma_start3A_630] : memref<26x1x1000000xf32, #tpu.memory_space<hbm>> -> memref<1x1x999936xf32, #tpu.memory_space<hbm>>
    %dma_start3A_632 = tpu.memref_squeeze %dma_start3A_631 : memref<1x1x999936xf32, #tpu.memory_space<hbm>> -> memref<999936xf32, #tpu.memory_space<hbm>>
    %dma_start3A_633 = arith.constant 0 : i32
    %dma_start3A_634 = tpu.memref_slice %dma_start3A_632[%dma_start3A_633] : memref<999936xf32, #tpu.memory_space<hbm>> -> memref<999936xf32, #tpu.memory_space<hbm>>
    tpu.enqueue_indirect_dma source(%dma_start3A_634 : memref<999936xf32, #tpu.memory_space<hbm>>) target(%dma_start3A_627 : memref<512xf32, #tpu.memory_space<vmem>>) offsets(%dma_start3A_629 : memref<512xi32, #tpu.memory_space<vmem>>) semaphore(%arg8 : memref<!tpu.dma_semaphore, #tpu.memory_space<semaphore_mem>>)
    %dma_wait3A_635 = arith.constant 20 : i32
    %dma_wait3A_636 = arith.constant 10240 : i32
    %dma_wait3A_637 = tpu.memref_slice %arg5[%dma_wait3A_636] : memref<13312xi32, #tpu.memory_space<vmem>> -> memref<512xi32, #tpu.memory_space<vmem>>
    %dma_wait3A_638 = tpu.memref_slice %arg2[%dma_wait3A_635, %mul3A_2] : memref<26x16384xi32, #tpu.memory_space<hbm>> -> memref<1x512xi32, #tpu.memory_space<hbm>>
    %dma_wait3A_639 = tpu.memref_squeeze %dma_wait3A_638 : memref<1x512xi32, #tpu.memory_space<hbm>> -> memref<512xi32, #tpu.memory_space<hbm>>
    %dma_wait3A_640 = arith.constant 10240 : i32
    %dma_wait3A_641 = tpu.memref_slice %arg5[%dma_wait3A_640] : memref<13312xi32, #tpu.memory_space<vmem>> -> memref<512xi32, #tpu.memory_space<vmem>>
    %dma_wait3A_642 = tpu.memref_slice %arg2[%dma_wait3A_635, %mul3A_2] : memref<26x16384xi32, #tpu.memory_space<hbm>> -> memref<1x512xi32, #tpu.memory_space<hbm>>
    %dma_wait3A_643 = tpu.memref_squeeze %dma_wait3A_642 : memref<1x512xi32, #tpu.memory_space<hbm>> -> memref<512xi32, #tpu.memory_space<hbm>>
    tpu.wait_dma2 semaphore(%arg9 : memref<!tpu.dma_semaphore, #tpu.memory_space<semaphore_mem>>) src(%dma_wait3A_643 : memref<512xi32, #tpu.memory_space<hbm>>) dst(%dma_wait3A_641 : memref<512xi32, #tpu.memory_space<vmem>>)
    %dma_start3A_644 = arith.constant 20 : i32
    %dma_start3A_645 = arith.constant 0 : i32
    %dma_start3A_646 = arith.constant 10240 : i32
    %dma_start3A_647 = tpu.memref_slice %arg6[%dma_start3A_646] : memref<13312xf32, #tpu.memory_space<vmem>> -> memref<512xf32, #tpu.memory_space<vmem>>
    %dma_start3A_648 = arith.constant 10240 : i32
    %dma_start3A_649 = tpu.memref_slice %arg5[%dma_start3A_648] : memref<13312xi32, #tpu.memory_space<vmem>> -> memref<512xi32, #tpu.memory_space<vmem>>
    %dma_start3A_650 = arith.constant 0 : i32
    %dma_start3A_651 = tpu.memref_slice %arg3[%dma_start3A_644, %dma_start3A_645, %dma_start3A_650] : memref<26x1x1000000xf32, #tpu.memory_space<hbm>> -> memref<1x1x999936xf32, #tpu.memory_space<hbm>>
    %dma_start3A_652 = tpu.memref_squeeze %dma_start3A_651 : memref<1x1x999936xf32, #tpu.memory_space<hbm>> -> memref<999936xf32, #tpu.memory_space<hbm>>
    %dma_start3A_653 = arith.constant 0 : i32
    %dma_start3A_654 = tpu.memref_slice %dma_start3A_652[%dma_start3A_653] : memref<999936xf32, #tpu.memory_space<hbm>> -> memref<999936xf32, #tpu.memory_space<hbm>>
    tpu.enqueue_indirect_dma source(%dma_start3A_654 : memref<999936xf32, #tpu.memory_space<hbm>>) target(%dma_start3A_647 : memref<512xf32, #tpu.memory_space<vmem>>) offsets(%dma_start3A_649 : memref<512xi32, #tpu.memory_space<vmem>>) semaphore(%arg8 : memref<!tpu.dma_semaphore, #tpu.memory_space<semaphore_mem>>)
    %dma_wait3A_655 = arith.constant 21 : i32
    %dma_wait3A_656 = arith.constant 10752 : i32
    %dma_wait3A_657 = tpu.memref_slice %arg5[%dma_wait3A_656] : memref<13312xi32, #tpu.memory_space<vmem>> -> memref<512xi32, #tpu.memory_space<vmem>>
    %dma_wait3A_658 = tpu.memref_slice %arg2[%dma_wait3A_655, %mul3A_2] : memref<26x16384xi32, #tpu.memory_space<hbm>> -> memref<1x512xi32, #tpu.memory_space<hbm>>
    %dma_wait3A_659 = tpu.memref_squeeze %dma_wait3A_658 : memref<1x512xi32, #tpu.memory_space<hbm>> -> memref<512xi32, #tpu.memory_space<hbm>>
    %dma_wait3A_660 = arith.constant 10752 : i32
    %dma_wait3A_661 = tpu.memref_slice %arg5[%dma_wait3A_660] : memref<13312xi32, #tpu.memory_space<vmem>> -> memref<512xi32, #tpu.memory_space<vmem>>
    %dma_wait3A_662 = tpu.memref_slice %arg2[%dma_wait3A_655, %mul3A_2] : memref<26x16384xi32, #tpu.memory_space<hbm>> -> memref<1x512xi32, #tpu.memory_space<hbm>>
    %dma_wait3A_663 = tpu.memref_squeeze %dma_wait3A_662 : memref<1x512xi32, #tpu.memory_space<hbm>> -> memref<512xi32, #tpu.memory_space<hbm>>
    tpu.wait_dma2 semaphore(%arg9 : memref<!tpu.dma_semaphore, #tpu.memory_space<semaphore_mem>>) src(%dma_wait3A_663 : memref<512xi32, #tpu.memory_space<hbm>>) dst(%dma_wait3A_661 : memref<512xi32, #tpu.memory_space<vmem>>)
    %dma_start3A_664 = arith.constant 21 : i32
    %dma_start3A_665 = arith.constant 0 : i32
    %dma_start3A_666 = arith.constant 10752 : i32
    %dma_start3A_667 = tpu.memref_slice %arg6[%dma_start3A_666] : memref<13312xf32, #tpu.memory_space<vmem>> -> memref<512xf32, #tpu.memory_space<vmem>>
    %dma_start3A_668 = arith.constant 10752 : i32
    %dma_start3A_669 = tpu.memref_slice %arg5[%dma_start3A_668] : memref<13312xi32, #tpu.memory_space<vmem>> -> memref<512xi32, #tpu.memory_space<vmem>>
    %dma_start3A_670 = arith.constant 0 : i32
    %dma_start3A_671 = tpu.memref_slice %arg3[%dma_start3A_664, %dma_start3A_665, %dma_start3A_670] : memref<26x1x1000000xf32, #tpu.memory_space<hbm>> -> memref<1x1x999936xf32, #tpu.memory_space<hbm>>
    %dma_start3A_672 = tpu.memref_squeeze %dma_start3A_671 : memref<1x1x999936xf32, #tpu.memory_space<hbm>> -> memref<999936xf32, #tpu.memory_space<hbm>>
    %dma_start3A_673 = arith.constant 0 : i32
    %dma_start3A_674 = tpu.memref_slice %dma_start3A_672[%dma_start3A_673] : memref<999936xf32, #tpu.memory_space<hbm>> -> memref<999936xf32, #tpu.memory_space<hbm>>
    tpu.enqueue_indirect_dma source(%dma_start3A_674 : memref<999936xf32, #tpu.memory_space<hbm>>) target(%dma_start3A_667 : memref<512xf32, #tpu.memory_space<vmem>>) offsets(%dma_start3A_669 : memref<512xi32, #tpu.memory_space<vmem>>) semaphore(%arg8 : memref<!tpu.dma_semaphore, #tpu.memory_space<semaphore_mem>>)
    %dma_wait3A_675 = arith.constant 22 : i32
    %dma_wait3A_676 = arith.constant 11264 : i32
    %dma_wait3A_677 = tpu.memref_slice %arg5[%dma_wait3A_676] : memref<13312xi32, #tpu.memory_space<vmem>> -> memref<512xi32, #tpu.memory_space<vmem>>
    %dma_wait3A_678 = tpu.memref_slice %arg2[%dma_wait3A_675, %mul3A_2] : memref<26x16384xi32, #tpu.memory_space<hbm>> -> memref<1x512xi32, #tpu.memory_space<hbm>>
    %dma_wait3A_679 = tpu.memref_squeeze %dma_wait3A_678 : memref<1x512xi32, #tpu.memory_space<hbm>> -> memref<512xi32, #tpu.memory_space<hbm>>
    %dma_wait3A_680 = arith.constant 11264 : i32
    %dma_wait3A_681 = tpu.memref_slice %arg5[%dma_wait3A_680] : memref<13312xi32, #tpu.memory_space<vmem>> -> memref<512xi32, #tpu.memory_space<vmem>>
    %dma_wait3A_682 = tpu.memref_slice %arg2[%dma_wait3A_675, %mul3A_2] : memref<26x16384xi32, #tpu.memory_space<hbm>> -> memref<1x512xi32, #tpu.memory_space<hbm>>
    %dma_wait3A_683 = tpu.memref_squeeze %dma_wait3A_682 : memref<1x512xi32, #tpu.memory_space<hbm>> -> memref<512xi32, #tpu.memory_space<hbm>>
    tpu.wait_dma2 semaphore(%arg9 : memref<!tpu.dma_semaphore, #tpu.memory_space<semaphore_mem>>) src(%dma_wait3A_683 : memref<512xi32, #tpu.memory_space<hbm>>) dst(%dma_wait3A_681 : memref<512xi32, #tpu.memory_space<vmem>>)
    %dma_start3A_684 = arith.constant 22 : i32
    %dma_start3A_685 = arith.constant 0 : i32
    %dma_start3A_686 = arith.constant 11264 : i32
    %dma_start3A_687 = tpu.memref_slice %arg6[%dma_start3A_686] : memref<13312xf32, #tpu.memory_space<vmem>> -> memref<512xf32, #tpu.memory_space<vmem>>
    %dma_start3A_688 = arith.constant 11264 : i32
    %dma_start3A_689 = tpu.memref_slice %arg5[%dma_start3A_688] : memref<13312xi32, #tpu.memory_space<vmem>> -> memref<512xi32, #tpu.memory_space<vmem>>
    %dma_start3A_690 = arith.constant 0 : i32
    %dma_start3A_691 = tpu.memref_slice %arg3[%dma_start3A_684, %dma_start3A_685, %dma_start3A_690] : memref<26x1x1000000xf32, #tpu.memory_space<hbm>> -> memref<1x1x999936xf32, #tpu.memory_space<hbm>>
    %dma_start3A_692 = tpu.memref_squeeze %dma_start3A_691 : memref<1x1x999936xf32, #tpu.memory_space<hbm>> -> memref<999936xf32, #tpu.memory_space<hbm>>
    %dma_start3A_693 = arith.constant 0 : i32
    %dma_start3A_694 = tpu.memref_slice %dma_start3A_692[%dma_start3A_693] : memref<999936xf32, #tpu.memory_space<hbm>> -> memref<999936xf32, #tpu.memory_space<hbm>>
    tpu.enqueue_indirect_dma source(%dma_start3A_694 : memref<999936xf32, #tpu.memory_space<hbm>>) target(%dma_start3A_687 : memref<512xf32, #tpu.memory_space<vmem>>) offsets(%dma_start3A_689 : memref<512xi32, #tpu.memory_space<vmem>>) semaphore(%arg8 : memref<!tpu.dma_semaphore, #tpu.memory_space<semaphore_mem>>)
    %dma_wait3A_695 = arith.constant 23 : i32
    %dma_wait3A_696 = arith.constant 11776 : i32
    %dma_wait3A_697 = tpu.memref_slice %arg5[%dma_wait3A_696] : memref<13312xi32, #tpu.memory_space<vmem>> -> memref<512xi32, #tpu.memory_space<vmem>>
    %dma_wait3A_698 = tpu.memref_slice %arg2[%dma_wait3A_695, %mul3A_2] : memref<26x16384xi32, #tpu.memory_space<hbm>> -> memref<1x512xi32, #tpu.memory_space<hbm>>
    %dma_wait3A_699 = tpu.memref_squeeze %dma_wait3A_698 : memref<1x512xi32, #tpu.memory_space<hbm>> -> memref<512xi32, #tpu.memory_space<hbm>>
    %dma_wait3A_700 = arith.constant 11776 : i32
    %dma_wait3A_701 = tpu.memref_slice %arg5[%dma_wait3A_700] : memref<13312xi32, #tpu.memory_space<vmem>> -> memref<512xi32, #tpu.memory_space<vmem>>
    %dma_wait3A_702 = tpu.memref_slice %arg2[%dma_wait3A_695, %mul3A_2] : memref<26x16384xi32, #tpu.memory_space<hbm>> -> memref<1x512xi32, #tpu.memory_space<hbm>>
    %dma_wait3A_703 = tpu.memref_squeeze %dma_wait3A_702 : memref<1x512xi32, #tpu.memory_space<hbm>> -> memref<512xi32, #tpu.memory_space<hbm>>
    tpu.wait_dma2 semaphore(%arg9 : memref<!tpu.dma_semaphore, #tpu.memory_space<semaphore_mem>>) src(%dma_wait3A_703 : memref<512xi32, #tpu.memory_space<hbm>>) dst(%dma_wait3A_701 : memref<512xi32, #tpu.memory_space<vmem>>)
    %dma_start3A_704 = arith.constant 23 : i32
    %dma_start3A_705 = arith.constant 0 : i32
    %dma_start3A_706 = arith.constant 11776 : i32
    %dma_start3A_707 = tpu.memref_slice %arg6[%dma_start3A_706] : memref<13312xf32, #tpu.memory_space<vmem>> -> memref<512xf32, #tpu.memory_space<vmem>>
    %dma_start3A_708 = arith.constant 11776 : i32
    %dma_start3A_709 = tpu.memref_slice %arg5[%dma_start3A_708] : memref<13312xi32, #tpu.memory_space<vmem>> -> memref<512xi32, #tpu.memory_space<vmem>>
    %dma_start3A_710 = arith.constant 0 : i32
    %dma_start3A_711 = tpu.memref_slice %arg3[%dma_start3A_704, %dma_start3A_705, %dma_start3A_710] : memref<26x1x1000000xf32, #tpu.memory_space<hbm>> -> memref<1x1x999936xf32, #tpu.memory_space<hbm>>
    %dma_start3A_712 = tpu.memref_squeeze %dma_start3A_711 : memref<1x1x999936xf32, #tpu.memory_space<hbm>> -> memref<999936xf32, #tpu.memory_space<hbm>>
    %dma_start3A_713 = arith.constant 0 : i32
    %dma_start3A_714 = tpu.memref_slice %dma_start3A_712[%dma_start3A_713] : memref<999936xf32, #tpu.memory_space<hbm>> -> memref<999936xf32, #tpu.memory_space<hbm>>
    tpu.enqueue_indirect_dma source(%dma_start3A_714 : memref<999936xf32, #tpu.memory_space<hbm>>) target(%dma_start3A_707 : memref<512xf32, #tpu.memory_space<vmem>>) offsets(%dma_start3A_709 : memref<512xi32, #tpu.memory_space<vmem>>) semaphore(%arg8 : memref<!tpu.dma_semaphore, #tpu.memory_space<semaphore_mem>>)
    %dma_wait3A_715 = arith.constant 24 : i32
    %dma_wait3A_716 = arith.constant 12288 : i32
    %dma_wait3A_717 = tpu.memref_slice %arg5[%dma_wait3A_716] : memref<13312xi32, #tpu.memory_space<vmem>> -> memref<512xi32, #tpu.memory_space<vmem>>
    %dma_wait3A_718 = tpu.memref_slice %arg2[%dma_wait3A_715, %mul3A_2] : memref<26x16384xi32, #tpu.memory_space<hbm>> -> memref<1x512xi32, #tpu.memory_space<hbm>>
    %dma_wait3A_719 = tpu.memref_squeeze %dma_wait3A_718 : memref<1x512xi32, #tpu.memory_space<hbm>> -> memref<512xi32, #tpu.memory_space<hbm>>
    %dma_wait3A_720 = arith.constant 12288 : i32
    %dma_wait3A_721 = tpu.memref_slice %arg5[%dma_wait3A_720] : memref<13312xi32, #tpu.memory_space<vmem>> -> memref<512xi32, #tpu.memory_space<vmem>>
    %dma_wait3A_722 = tpu.memref_slice %arg2[%dma_wait3A_715, %mul3A_2] : memref<26x16384xi32, #tpu.memory_space<hbm>> -> memref<1x512xi32, #tpu.memory_space<hbm>>
    %dma_wait3A_723 = tpu.memref_squeeze %dma_wait3A_722 : memref<1x512xi32, #tpu.memory_space<hbm>> -> memref<512xi32, #tpu.memory_space<hbm>>
    tpu.wait_dma2 semaphore(%arg9 : memref<!tpu.dma_semaphore, #tpu.memory_space<semaphore_mem>>) src(%dma_wait3A_723 : memref<512xi32, #tpu.memory_space<hbm>>) dst(%dma_wait3A_721 : memref<512xi32, #tpu.memory_space<vmem>>)
    %dma_start3A_724 = arith.constant 24 : i32
    %dma_start3A_725 = arith.constant 0 : i32
    %dma_start3A_726 = arith.constant 12288 : i32
    %dma_start3A_727 = tpu.memref_slice %arg6[%dma_start3A_726] : memref<13312xf32, #tpu.memory_space<vmem>> -> memref<512xf32, #tpu.memory_space<vmem>>
    %dma_start3A_728 = arith.constant 12288 : i32
    %dma_start3A_729 = tpu.memref_slice %arg5[%dma_start3A_728] : memref<13312xi32, #tpu.memory_space<vmem>> -> memref<512xi32, #tpu.memory_space<vmem>>
    %dma_start3A_730 = arith.constant 0 : i32
    %dma_start3A_731 = tpu.memref_slice %arg3[%dma_start3A_724, %dma_start3A_725, %dma_start3A_730] : memref<26x1x1000000xf32, #tpu.memory_space<hbm>> -> memref<1x1x999936xf32, #tpu.memory_space<hbm>>
    %dma_start3A_732 = tpu.memref_squeeze %dma_start3A_731 : memref<1x1x999936xf32, #tpu.memory_space<hbm>> -> memref<999936xf32, #tpu.memory_space<hbm>>
    %dma_start3A_733 = arith.constant 0 : i32
    %dma_start3A_734 = tpu.memref_slice %dma_start3A_732[%dma_start3A_733] : memref<999936xf32, #tpu.memory_space<hbm>> -> memref<999936xf32, #tpu.memory_space<hbm>>
    tpu.enqueue_indirect_dma source(%dma_start3A_734 : memref<999936xf32, #tpu.memory_space<hbm>>) target(%dma_start3A_727 : memref<512xf32, #tpu.memory_space<vmem>>) offsets(%dma_start3A_729 : memref<512xi32, #tpu.memory_space<vmem>>) semaphore(%arg8 : memref<!tpu.dma_semaphore, #tpu.memory_space<semaphore_mem>>)
    %dma_wait3A_735 = arith.constant 25 : i32
    %dma_wait3A_736 = arith.constant 12800 : i32
    %dma_wait3A_737 = tpu.memref_slice %arg5[%dma_wait3A_736] : memref<13312xi32, #tpu.memory_space<vmem>> -> memref<512xi32, #tpu.memory_space<vmem>>
    %dma_wait3A_738 = tpu.memref_slice %arg2[%dma_wait3A_735, %mul3A_2] : memref<26x16384xi32, #tpu.memory_space<hbm>> -> memref<1x512xi32, #tpu.memory_space<hbm>>
    %dma_wait3A_739 = tpu.memref_squeeze %dma_wait3A_738 : memref<1x512xi32, #tpu.memory_space<hbm>> -> memref<512xi32, #tpu.memory_space<hbm>>
    %dma_wait3A_740 = arith.constant 12800 : i32
    %dma_wait3A_741 = tpu.memref_slice %arg5[%dma_wait3A_740] : memref<13312xi32, #tpu.memory_space<vmem>> -> memref<512xi32, #tpu.memory_space<vmem>>
    %dma_wait3A_742 = tpu.memref_slice %arg2[%dma_wait3A_735, %mul3A_2] : memref<26x16384xi32, #tpu.memory_space<hbm>> -> memref<1x512xi32, #tpu.memory_space<hbm>>
    %dma_wait3A_743 = tpu.memref_squeeze %dma_wait3A_742 : memref<1x512xi32, #tpu.memory_space<hbm>> -> memref<512xi32, #tpu.memory_space<hbm>>
    tpu.wait_dma2 semaphore(%arg9 : memref<!tpu.dma_semaphore, #tpu.memory_space<semaphore_mem>>) src(%dma_wait3A_743 : memref<512xi32, #tpu.memory_space<hbm>>) dst(%dma_wait3A_741 : memref<512xi32, #tpu.memory_space<vmem>>)
    %dma_start3A_744 = arith.constant 25 : i32
    %dma_start3A_745 = arith.constant 0 : i32
    %dma_start3A_746 = arith.constant 12800 : i32
    %dma_start3A_747 = tpu.memref_slice %arg6[%dma_start3A_746] : memref<13312xf32, #tpu.memory_space<vmem>> -> memref<512xf32, #tpu.memory_space<vmem>>
    %dma_start3A_748 = arith.constant 12800 : i32
    %dma_start3A_749 = tpu.memref_slice %arg5[%dma_start3A_748] : memref<13312xi32, #tpu.memory_space<vmem>> -> memref<512xi32, #tpu.memory_space<vmem>>
    %dma_start3A_750 = arith.constant 0 : i32
    %dma_start3A_751 = tpu.memref_slice %arg3[%dma_start3A_744, %dma_start3A_745, %dma_start3A_750] : memref<26x1x1000000xf32, #tpu.memory_space<hbm>> -> memref<1x1x999936xf32, #tpu.memory_space<hbm>>
    %dma_start3A_752 = tpu.memref_squeeze %dma_start3A_751 : memref<1x1x999936xf32, #tpu.memory_space<hbm>> -> memref<999936xf32, #tpu.memory_space<hbm>>
    %dma_start3A_753 = arith.constant 0 : i32
    %dma_start3A_754 = tpu.memref_slice %dma_start3A_752[%dma_start3A_753] : memref<999936xf32, #tpu.memory_space<hbm>> -> memref<999936xf32, #tpu.memory_space<hbm>>
    tpu.enqueue_indirect_dma source(%dma_start3A_754 : memref<999936xf32, #tpu.memory_space<hbm>>) target(%dma_start3A_747 : memref<512xf32, #tpu.memory_space<vmem>>) offsets(%dma_start3A_749 : memref<512xi32, #tpu.memory_space<vmem>>) semaphore(%arg8 : memref<!tpu.dma_semaphore, #tpu.memory_space<semaphore_mem>>)
    %dma_wait3A_755 = arith.constant 0 : i32
    %dma_wait3A_756 = arith.constant 0 : i32
    %dma_wait3A_757 = arith.constant 0 : i32
    %dma_wait3A_758 = tpu.memref_slice %arg6[%dma_wait3A_757] : memref<13312xf32, #tpu.memory_space<vmem>> -> memref<512xf32, #tpu.memory_space<vmem>>
    %dma_wait3A_759 = arith.constant 0 : i32
    %dma_wait3A_760 = tpu.memref_slice %arg5[%dma_wait3A_759] : memref<13312xi32, #tpu.memory_space<vmem>> -> memref<512xi32, #tpu.memory_space<vmem>>
    %dma_wait3A_761 = arith.constant 0 : i32
    %dma_wait3A_762 = tpu.memref_slice %arg3[%dma_wait3A_755, %dma_wait3A_756, %dma_wait3A_761] : memref<26x1x1000000xf32, #tpu.memory_space<hbm>> -> memref<1x1x999936xf32, #tpu.memory_space<hbm>>
    %dma_wait3A_763 = tpu.memref_squeeze %dma_wait3A_762 : memref<1x1x999936xf32, #tpu.memory_space<hbm>> -> memref<999936xf32, #tpu.memory_space<hbm>>
    %dma_wait3A_764 = arith.constant 0 : i32
    %dma_wait3A_765 = tpu.memref_slice %dma_wait3A_763[%dma_wait3A_764] : memref<999936xf32, #tpu.memory_space<hbm>> -> memref<999936xf32, #tpu.memory_space<hbm>>
    tpu.wait_indirect_dma semaphore(%arg8 : memref<!tpu.dma_semaphore, #tpu.memory_space<semaphore_mem>>) src(%dma_wait3A_765 : memref<999936xf32, #tpu.memory_space<hbm>>) dst(%dma_wait3A_758 : memref<512xf32, #tpu.memory_space<vmem>>)
    %dma_wait3A_766 = arith.constant 1 : i32
    %dma_wait3A_767 = arith.constant 0 : i32
    %dma_wait3A_768 = arith.constant 512 : i32
    %dma_wait3A_769 = tpu.memref_slice %arg6[%dma_wait3A_768] : memref<13312xf32, #tpu.memory_space<vmem>> -> memref<512xf32, #tpu.memory_space<vmem>>
    %dma_wait3A_770 = arith.constant 512 : i32
    %dma_wait3A_771 = tpu.memref_slice %arg5[%dma_wait3A_770] : memref<13312xi32, #tpu.memory_space<vmem>> -> memref<512xi32, #tpu.memory_space<vmem>>
    %dma_wait3A_772 = arith.constant 0 : i32
    %dma_wait3A_773 = tpu.memref_slice %arg3[%dma_wait3A_766, %dma_wait3A_767, %dma_wait3A_772] : memref<26x1x1000000xf32, #tpu.memory_space<hbm>> -> memref<1x1x999936xf32, #tpu.memory_space<hbm>>
    %dma_wait3A_774 = tpu.memref_squeeze %dma_wait3A_773 : memref<1x1x999936xf32, #tpu.memory_space<hbm>> -> memref<999936xf32, #tpu.memory_space<hbm>>
    %dma_wait3A_775 = arith.constant 0 : i32
    %dma_wait3A_776 = tpu.memref_slice %dma_wait3A_774[%dma_wait3A_775] : memref<999936xf32, #tpu.memory_space<hbm>> -> memref<999936xf32, #tpu.memory_space<hbm>>
    tpu.wait_indirect_dma semaphore(%arg8 : memref<!tpu.dma_semaphore, #tpu.memory_space<semaphore_mem>>) src(%dma_wait3A_776 : memref<999936xf32, #tpu.memory_space<hbm>>) dst(%dma_wait3A_769 : memref<512xf32, #tpu.memory_space<vmem>>)
    %dma_wait3A_777 = arith.constant 2 : i32
    %dma_wait3A_778 = arith.constant 0 : i32
    %dma_wait3A_779 = arith.constant 1024 : i32
    %dma_wait3A_780 = tpu.memref_slice %arg6[%dma_wait3A_779] : memref<13312xf32, #tpu.memory_space<vmem>> -> memref<512xf32, #tpu.memory_space<vmem>>
    %dma_wait3A_781 = arith.constant 1024 : i32
    %dma_wait3A_782 = tpu.memref_slice %arg5[%dma_wait3A_781] : memref<13312xi32, #tpu.memory_space<vmem>> -> memref<512xi32, #tpu.memory_space<vmem>>
    %dma_wait3A_783 = arith.constant 0 : i32
    %dma_wait3A_784 = tpu.memref_slice %arg3[%dma_wait3A_777, %dma_wait3A_778, %dma_wait3A_783] : memref<26x1x1000000xf32, #tpu.memory_space<hbm>> -> memref<1x1x999936xf32, #tpu.memory_space<hbm>>
    %dma_wait3A_785 = tpu.memref_squeeze %dma_wait3A_784 : memref<1x1x999936xf32, #tpu.memory_space<hbm>> -> memref<999936xf32, #tpu.memory_space<hbm>>
    %dma_wait3A_786 = arith.constant 0 : i32
    %dma_wait3A_787 = tpu.memref_slice %dma_wait3A_785[%dma_wait3A_786] : memref<999936xf32, #tpu.memory_space<hbm>> -> memref<999936xf32, #tpu.memory_space<hbm>>
    tpu.wait_indirect_dma semaphore(%arg8 : memref<!tpu.dma_semaphore, #tpu.memory_space<semaphore_mem>>) src(%dma_wait3A_787 : memref<999936xf32, #tpu.memory_space<hbm>>) dst(%dma_wait3A_780 : memref<512xf32, #tpu.memory_space<vmem>>)
    %dma_wait3A_788 = arith.constant 3 : i32
    %dma_wait3A_789 = arith.constant 0 : i32
    %dma_wait3A_790 = arith.constant 1536 : i32
    %dma_wait3A_791 = tpu.memref_slice %arg6[%dma_wait3A_790] : memref<13312xf32, #tpu.memory_space<vmem>> -> memref<512xf32, #tpu.memory_space<vmem>>
    %dma_wait3A_792 = arith.constant 1536 : i32
    %dma_wait3A_793 = tpu.memref_slice %arg5[%dma_wait3A_792] : memref<13312xi32, #tpu.memory_space<vmem>> -> memref<512xi32, #tpu.memory_space<vmem>>
    %dma_wait3A_794 = arith.constant 0 : i32
    %dma_wait3A_795 = tpu.memref_slice %arg3[%dma_wait3A_788, %dma_wait3A_789, %dma_wait3A_794] : memref<26x1x1000000xf32, #tpu.memory_space<hbm>> -> memref<1x1x999936xf32, #tpu.memory_space<hbm>>
    %dma_wait3A_796 = tpu.memref_squeeze %dma_wait3A_795 : memref<1x1x999936xf32, #tpu.memory_space<hbm>> -> memref<999936xf32, #tpu.memory_space<hbm>>
    %dma_wait3A_797 = arith.constant 0 : i32
    %dma_wait3A_798 = tpu.memref_slice %dma_wait3A_796[%dma_wait3A_797] : memref<999936xf32, #tpu.memory_space<hbm>> -> memref<999936xf32, #tpu.memory_space<hbm>>
    tpu.wait_indirect_dma semaphore(%arg8 : memref<!tpu.dma_semaphore, #tpu.memory_space<semaphore_mem>>) src(%dma_wait3A_798 : memref<999936xf32, #tpu.memory_space<hbm>>) dst(%dma_wait3A_791 : memref<512xf32, #tpu.memory_space<vmem>>)
    %dma_wait3A_799 = arith.constant 4 : i32
    %dma_wait3A_800 = arith.constant 0 : i32
    %dma_wait3A_801 = arith.constant 2048 : i32
    %dma_wait3A_802 = tpu.memref_slice %arg6[%dma_wait3A_801] : memref<13312xf32, #tpu.memory_space<vmem>> -> memref<512xf32, #tpu.memory_space<vmem>>
    %dma_wait3A_803 = arith.constant 2048 : i32
    %dma_wait3A_804 = tpu.memref_slice %arg5[%dma_wait3A_803] : memref<13312xi32, #tpu.memory_space<vmem>> -> memref<512xi32, #tpu.memory_space<vmem>>
    %dma_wait3A_805 = arith.constant 0 : i32
    %dma_wait3A_806 = tpu.memref_slice %arg3[%dma_wait3A_799, %dma_wait3A_800, %dma_wait3A_805] : memref<26x1x1000000xf32, #tpu.memory_space<hbm>> -> memref<1x1x999936xf32, #tpu.memory_space<hbm>>
    %dma_wait3A_807 = tpu.memref_squeeze %dma_wait3A_806 : memref<1x1x999936xf32, #tpu.memory_space<hbm>> -> memref<999936xf32, #tpu.memory_space<hbm>>
    %dma_wait3A_808 = arith.constant 0 : i32
    %dma_wait3A_809 = tpu.memref_slice %dma_wait3A_807[%dma_wait3A_808] : memref<999936xf32, #tpu.memory_space<hbm>> -> memref<999936xf32, #tpu.memory_space<hbm>>
    tpu.wait_indirect_dma semaphore(%arg8 : memref<!tpu.dma_semaphore, #tpu.memory_space<semaphore_mem>>) src(%dma_wait3A_809 : memref<999936xf32, #tpu.memory_space<hbm>>) dst(%dma_wait3A_802 : memref<512xf32, #tpu.memory_space<vmem>>)
    %dma_wait3A_810 = arith.constant 5 : i32
    %dma_wait3A_811 = arith.constant 0 : i32
    %dma_wait3A_812 = arith.constant 2560 : i32
    %dma_wait3A_813 = tpu.memref_slice %arg6[%dma_wait3A_812] : memref<13312xf32, #tpu.memory_space<vmem>> -> memref<512xf32, #tpu.memory_space<vmem>>
    %dma_wait3A_814 = arith.constant 2560 : i32
    %dma_wait3A_815 = tpu.memref_slice %arg5[%dma_wait3A_814] : memref<13312xi32, #tpu.memory_space<vmem>> -> memref<512xi32, #tpu.memory_space<vmem>>
    %dma_wait3A_816 = arith.constant 0 : i32
    %dma_wait3A_817 = tpu.memref_slice %arg3[%dma_wait3A_810, %dma_wait3A_811, %dma_wait3A_816] : memref<26x1x1000000xf32, #tpu.memory_space<hbm>> -> memref<1x1x999936xf32, #tpu.memory_space<hbm>>
    %dma_wait3A_818 = tpu.memref_squeeze %dma_wait3A_817 : memref<1x1x999936xf32, #tpu.memory_space<hbm>> -> memref<999936xf32, #tpu.memory_space<hbm>>
    %dma_wait3A_819 = arith.constant 0 : i32
    %dma_wait3A_820 = tpu.memref_slice %dma_wait3A_818[%dma_wait3A_819] : memref<999936xf32, #tpu.memory_space<hbm>> -> memref<999936xf32, #tpu.memory_space<hbm>>
    tpu.wait_indirect_dma semaphore(%arg8 : memref<!tpu.dma_semaphore, #tpu.memory_space<semaphore_mem>>) src(%dma_wait3A_820 : memref<999936xf32, #tpu.memory_space<hbm>>) dst(%dma_wait3A_813 : memref<512xf32, #tpu.memory_space<vmem>>)
    %dma_wait3A_821 = arith.constant 6 : i32
    %dma_wait3A_822 = arith.constant 0 : i32
    %dma_wait3A_823 = arith.constant 3072 : i32
    %dma_wait3A_824 = tpu.memref_slice %arg6[%dma_wait3A_823] : memref<13312xf32, #tpu.memory_space<vmem>> -> memref<512xf32, #tpu.memory_space<vmem>>
    %dma_wait3A_825 = arith.constant 3072 : i32
    %dma_wait3A_826 = tpu.memref_slice %arg5[%dma_wait3A_825] : memref<13312xi32, #tpu.memory_space<vmem>> -> memref<512xi32, #tpu.memory_space<vmem>>
    %dma_wait3A_827 = arith.constant 0 : i32
    %dma_wait3A_828 = tpu.memref_slice %arg3[%dma_wait3A_821, %dma_wait3A_822, %dma_wait3A_827] : memref<26x1x1000000xf32, #tpu.memory_space<hbm>> -> memref<1x1x999936xf32, #tpu.memory_space<hbm>>
    %dma_wait3A_829 = tpu.memref_squeeze %dma_wait3A_828 : memref<1x1x999936xf32, #tpu.memory_space<hbm>> -> memref<999936xf32, #tpu.memory_space<hbm>>
    %dma_wait3A_830 = arith.constant 0 : i32
    %dma_wait3A_831 = tpu.memref_slice %dma_wait3A_829[%dma_wait3A_830] : memref<999936xf32, #tpu.memory_space<hbm>> -> memref<999936xf32, #tpu.memory_space<hbm>>
    tpu.wait_indirect_dma semaphore(%arg8 : memref<!tpu.dma_semaphore, #tpu.memory_space<semaphore_mem>>) src(%dma_wait3A_831 : memref<999936xf32, #tpu.memory_space<hbm>>) dst(%dma_wait3A_824 : memref<512xf32, #tpu.memory_space<vmem>>)
    %dma_wait3A_832 = arith.constant 7 : i32
    %dma_wait3A_833 = arith.constant 0 : i32
    %dma_wait3A_834 = arith.constant 3584 : i32
    %dma_wait3A_835 = tpu.memref_slice %arg6[%dma_wait3A_834] : memref<13312xf32, #tpu.memory_space<vmem>> -> memref<512xf32, #tpu.memory_space<vmem>>
    %dma_wait3A_836 = arith.constant 3584 : i32
    %dma_wait3A_837 = tpu.memref_slice %arg5[%dma_wait3A_836] : memref<13312xi32, #tpu.memory_space<vmem>> -> memref<512xi32, #tpu.memory_space<vmem>>
    %dma_wait3A_838 = arith.constant 0 : i32
    %dma_wait3A_839 = tpu.memref_slice %arg3[%dma_wait3A_832, %dma_wait3A_833, %dma_wait3A_838] : memref<26x1x1000000xf32, #tpu.memory_space<hbm>> -> memref<1x1x999936xf32, #tpu.memory_space<hbm>>
    %dma_wait3A_840 = tpu.memref_squeeze %dma_wait3A_839 : memref<1x1x999936xf32, #tpu.memory_space<hbm>> -> memref<999936xf32, #tpu.memory_space<hbm>>
    %dma_wait3A_841 = arith.constant 0 : i32
    %dma_wait3A_842 = tpu.memref_slice %dma_wait3A_840[%dma_wait3A_841] : memref<999936xf32, #tpu.memory_space<hbm>> -> memref<999936xf32, #tpu.memory_space<hbm>>
    tpu.wait_indirect_dma semaphore(%arg8 : memref<!tpu.dma_semaphore, #tpu.memory_space<semaphore_mem>>) src(%dma_wait3A_842 : memref<999936xf32, #tpu.memory_space<hbm>>) dst(%dma_wait3A_835 : memref<512xf32, #tpu.memory_space<vmem>>)
    %dma_wait3A_843 = arith.constant 8 : i32
    %dma_wait3A_844 = arith.constant 0 : i32
    %dma_wait3A_845 = arith.constant 4096 : i32
    %dma_wait3A_846 = tpu.memref_slice %arg6[%dma_wait3A_845] : memref<13312xf32, #tpu.memory_space<vmem>> -> memref<512xf32, #tpu.memory_space<vmem>>
    %dma_wait3A_847 = arith.constant 4096 : i32
    %dma_wait3A_848 = tpu.memref_slice %arg5[%dma_wait3A_847] : memref<13312xi32, #tpu.memory_space<vmem>> -> memref<512xi32, #tpu.memory_space<vmem>>
    %dma_wait3A_849 = arith.constant 0 : i32
    %dma_wait3A_850 = tpu.memref_slice %arg3[%dma_wait3A_843, %dma_wait3A_844, %dma_wait3A_849] : memref<26x1x1000000xf32, #tpu.memory_space<hbm>> -> memref<1x1x999936xf32, #tpu.memory_space<hbm>>
    %dma_wait3A_851 = tpu.memref_squeeze %dma_wait3A_850 : memref<1x1x999936xf32, #tpu.memory_space<hbm>> -> memref<999936xf32, #tpu.memory_space<hbm>>
    %dma_wait3A_852 = arith.constant 0 : i32
    %dma_wait3A_853 = tpu.memref_slice %dma_wait3A_851[%dma_wait3A_852] : memref<999936xf32, #tpu.memory_space<hbm>> -> memref<999936xf32, #tpu.memory_space<hbm>>
    tpu.wait_indirect_dma semaphore(%arg8 : memref<!tpu.dma_semaphore, #tpu.memory_space<semaphore_mem>>) src(%dma_wait3A_853 : memref<999936xf32, #tpu.memory_space<hbm>>) dst(%dma_wait3A_846 : memref<512xf32, #tpu.memory_space<vmem>>)
    %dma_wait3A_854 = arith.constant 9 : i32
    %dma_wait3A_855 = arith.constant 0 : i32
    %dma_wait3A_856 = arith.constant 4608 : i32
    %dma_wait3A_857 = tpu.memref_slice %arg6[%dma_wait3A_856] : memref<13312xf32, #tpu.memory_space<vmem>> -> memref<512xf32, #tpu.memory_space<vmem>>
    %dma_wait3A_858 = arith.constant 4608 : i32
    %dma_wait3A_859 = tpu.memref_slice %arg5[%dma_wait3A_858] : memref<13312xi32, #tpu.memory_space<vmem>> -> memref<512xi32, #tpu.memory_space<vmem>>
    %dma_wait3A_860 = arith.constant 0 : i32
    %dma_wait3A_861 = tpu.memref_slice %arg3[%dma_wait3A_854, %dma_wait3A_855, %dma_wait3A_860] : memref<26x1x1000000xf32, #tpu.memory_space<hbm>> -> memref<1x1x999936xf32, #tpu.memory_space<hbm>>
    %dma_wait3A_862 = tpu.memref_squeeze %dma_wait3A_861 : memref<1x1x999936xf32, #tpu.memory_space<hbm>> -> memref<999936xf32, #tpu.memory_space<hbm>>
    %dma_wait3A_863 = arith.constant 0 : i32
    %dma_wait3A_864 = tpu.memref_slice %dma_wait3A_862[%dma_wait3A_863] : memref<999936xf32, #tpu.memory_space<hbm>> -> memref<999936xf32, #tpu.memory_space<hbm>>
    tpu.wait_indirect_dma semaphore(%arg8 : memref<!tpu.dma_semaphore, #tpu.memory_space<semaphore_mem>>) src(%dma_wait3A_864 : memref<999936xf32, #tpu.memory_space<hbm>>) dst(%dma_wait3A_857 : memref<512xf32, #tpu.memory_space<vmem>>)
    %dma_wait3A_865 = arith.constant 10 : i32
    %dma_wait3A_866 = arith.constant 0 : i32
    %dma_wait3A_867 = arith.constant 5120 : i32
    %dma_wait3A_868 = tpu.memref_slice %arg6[%dma_wait3A_867] : memref<13312xf32, #tpu.memory_space<vmem>> -> memref<512xf32, #tpu.memory_space<vmem>>
    %dma_wait3A_869 = arith.constant 5120 : i32
    %dma_wait3A_870 = tpu.memref_slice %arg5[%dma_wait3A_869] : memref<13312xi32, #tpu.memory_space<vmem>> -> memref<512xi32, #tpu.memory_space<vmem>>
    %dma_wait3A_871 = arith.constant 0 : i32
    %dma_wait3A_872 = tpu.memref_slice %arg3[%dma_wait3A_865, %dma_wait3A_866, %dma_wait3A_871] : memref<26x1x1000000xf32, #tpu.memory_space<hbm>> -> memref<1x1x999936xf32, #tpu.memory_space<hbm>>
    %dma_wait3A_873 = tpu.memref_squeeze %dma_wait3A_872 : memref<1x1x999936xf32, #tpu.memory_space<hbm>> -> memref<999936xf32, #tpu.memory_space<hbm>>
    %dma_wait3A_874 = arith.constant 0 : i32
    %dma_wait3A_875 = tpu.memref_slice %dma_wait3A_873[%dma_wait3A_874] : memref<999936xf32, #tpu.memory_space<hbm>> -> memref<999936xf32, #tpu.memory_space<hbm>>
    tpu.wait_indirect_dma semaphore(%arg8 : memref<!tpu.dma_semaphore, #tpu.memory_space<semaphore_mem>>) src(%dma_wait3A_875 : memref<999936xf32, #tpu.memory_space<hbm>>) dst(%dma_wait3A_868 : memref<512xf32, #tpu.memory_space<vmem>>)
    %dma_wait3A_876 = arith.constant 11 : i32
    %dma_wait3A_877 = arith.constant 0 : i32
    %dma_wait3A_878 = arith.constant 5632 : i32
    %dma_wait3A_879 = tpu.memref_slice %arg6[%dma_wait3A_878] : memref<13312xf32, #tpu.memory_space<vmem>> -> memref<512xf32, #tpu.memory_space<vmem>>
    %dma_wait3A_880 = arith.constant 5632 : i32
    %dma_wait3A_881 = tpu.memref_slice %arg5[%dma_wait3A_880] : memref<13312xi32, #tpu.memory_space<vmem>> -> memref<512xi32, #tpu.memory_space<vmem>>
    %dma_wait3A_882 = arith.constant 0 : i32
    %dma_wait3A_883 = tpu.memref_slice %arg3[%dma_wait3A_876, %dma_wait3A_877, %dma_wait3A_882] : memref<26x1x1000000xf32, #tpu.memory_space<hbm>> -> memref<1x1x999936xf32, #tpu.memory_space<hbm>>
    %dma_wait3A_884 = tpu.memref_squeeze %dma_wait3A_883 : memref<1x1x999936xf32, #tpu.memory_space<hbm>> -> memref<999936xf32, #tpu.memory_space<hbm>>
    %dma_wait3A_885 = arith.constant 0 : i32
    %dma_wait3A_886 = tpu.memref_slice %dma_wait3A_884[%dma_wait3A_885] : memref<999936xf32, #tpu.memory_space<hbm>> -> memref<999936xf32, #tpu.memory_space<hbm>>
    tpu.wait_indirect_dma semaphore(%arg8 : memref<!tpu.dma_semaphore, #tpu.memory_space<semaphore_mem>>) src(%dma_wait3A_886 : memref<999936xf32, #tpu.memory_space<hbm>>) dst(%dma_wait3A_879 : memref<512xf32, #tpu.memory_space<vmem>>)
    %dma_wait3A_887 = arith.constant 12 : i32
    %dma_wait3A_888 = arith.constant 0 : i32
    %dma_wait3A_889 = arith.constant 6144 : i32
    %dma_wait3A_890 = tpu.memref_slice %arg6[%dma_wait3A_889] : memref<13312xf32, #tpu.memory_space<vmem>> -> memref<512xf32, #tpu.memory_space<vmem>>
    %dma_wait3A_891 = arith.constant 6144 : i32
    %dma_wait3A_892 = tpu.memref_slice %arg5[%dma_wait3A_891] : memref<13312xi32, #tpu.memory_space<vmem>> -> memref<512xi32, #tpu.memory_space<vmem>>
    %dma_wait3A_893 = arith.constant 0 : i32
    %dma_wait3A_894 = tpu.memref_slice %arg3[%dma_wait3A_887, %dma_wait3A_888, %dma_wait3A_893] : memref<26x1x1000000xf32, #tpu.memory_space<hbm>> -> memref<1x1x999936xf32, #tpu.memory_space<hbm>>
    %dma_wait3A_895 = tpu.memref_squeeze %dma_wait3A_894 : memref<1x1x999936xf32, #tpu.memory_space<hbm>> -> memref<999936xf32, #tpu.memory_space<hbm>>
    %dma_wait3A_896 = arith.constant 0 : i32
    %dma_wait3A_897 = tpu.memref_slice %dma_wait3A_895[%dma_wait3A_896] : memref<999936xf32, #tpu.memory_space<hbm>> -> memref<999936xf32, #tpu.memory_space<hbm>>
    tpu.wait_indirect_dma semaphore(%arg8 : memref<!tpu.dma_semaphore, #tpu.memory_space<semaphore_mem>>) src(%dma_wait3A_897 : memref<999936xf32, #tpu.memory_space<hbm>>) dst(%dma_wait3A_890 : memref<512xf32, #tpu.memory_space<vmem>>)
    %scan3A = arith.constant 0 : i32
    %scan3A_898 = arith.constant 0 : i32
    %scan3A_899 = arith.constant 32 : i32
    %scan3A_900 = arith.addi %scan3A_898, %scan3A_899 : i32
    %scan3A_901 = arith.constant 1 : i32
    %scan3A_902 = scf.for %scan3A_1054 = %scan3A_898 to %scan3A_900 step %scan3A_901 iter_args(%scan3A_1055 = %scan3A) -> (i32)  : i32 {
      %mul3A_1056 = arith.constant 16 : i32
      %mul3A_1057 = arith.muli %scan3A_1054, %mul3A_1056 : i32
      %get3A = arith.index_cast %mul3A_1057 : i32 to index
      %get3A_1058 = tpu.vector_load %arg6[%get3A] {strides = array<i32>} : memref<13312xf32, #tpu.memory_space<vmem>>, vector<16xf32>,
      %mul3A_1059 = arith.constant 16 : i32
      %mul3A_1060 = arith.muli %scan3A_1054, %mul3A_1059 : i32
      %add3A_1061 = arith.constant 512 : i32
      %add3A_1062 = arith.addi %add3A_1061, %mul3A_1060 : i32
      %get3A_1063 = arith.index_cast %add3A_1062 : i32 to index
      %get3A_1064 = tpu.vector_load %arg6[%get3A_1063] {strides = array<i32>} : memref<13312xf32, #tpu.memory_space<vmem>>, vector<16xf32>,
      %add3A_1065 = arith.addf %get3A_1058, %get3A_1064 : vector<16xf32>
      %mul3A_1066 = arith.constant 16 : i32
      %mul3A_1067 = arith.muli %scan3A_1054, %mul3A_1066 : i32
      %add3A_1068 = arith.constant 1024 : i32
      %add3A_1069 = arith.addi %add3A_1068, %mul3A_1067 : i32
      %get3A_1070 = arith.index_cast %add3A_1069 : i32 to index
      %get3A_1071 = tpu.vector_load %arg6[%get3A_1070] {strides = array<i32>} : memref<13312xf32, #tpu.memory_space<vmem>>, vector<16xf32>,
      %add3A_1072 = arith.addf %add3A_1065, %get3A_1071 : vector<16xf32>
      %mul3A_1073 = arith.constant 16 : i32
      %mul3A_1074 = arith.muli %scan3A_1054, %mul3A_1073 : i32
      %add3A_1075 = arith.constant 1536 : i32
      %add3A_1076 = arith.addi %add3A_1075, %mul3A_1074 : i32
      %get3A_1077 = arith.index_cast %add3A_1076 : i32 to index
      %get3A_1078 = tpu.vector_load %arg6[%get3A_1077] {strides = array<i32>} : memref<13312xf32, #tpu.memory_space<vmem>>, vector<16xf32>,
      %add3A_1079 = arith.addf %add3A_1072, %get3A_1078 : vector<16xf32>
      %mul3A_1080 = arith.constant 16 : i32
      %mul3A_1081 = arith.muli %scan3A_1054, %mul3A_1080 : i32
      %add3A_1082 = arith.constant 2048 : i32
      %add3A_1083 = arith.addi %add3A_1082, %mul3A_1081 : i32
      %get3A_1084 = arith.index_cast %add3A_1083 : i32 to index
      %get3A_1085 = tpu.vector_load %arg6[%get3A_1084] {strides = array<i32>} : memref<13312xf32, #tpu.memory_space<vmem>>, vector<16xf32>,
      %add3A_1086 = arith.addf %add3A_1079, %get3A_1085 : vector<16xf32>
      %mul3A_1087 = arith.constant 16 : i32
      %mul3A_1088 = arith.muli %scan3A_1054, %mul3A_1087 : i32
      %add3A_1089 = arith.constant 2560 : i32
      %add3A_1090 = arith.addi %add3A_1089, %mul3A_1088 : i32
      %get3A_1091 = arith.index_cast %add3A_1090 : i32 to index
      %get3A_1092 = tpu.vector_load %arg6[%get3A_1091] {strides = array<i32>} : memref<13312xf32, #tpu.memory_space<vmem>>, vector<16xf32>,
      %add3A_1093 = arith.addf %add3A_1086, %get3A_1092 : vector<16xf32>
      %mul3A_1094 = arith.constant 16 : i32
      %mul3A_1095 = arith.muli %scan3A_1054, %mul3A_1094 : i32
      %add3A_1096 = arith.constant 3072 : i32
      %add3A_1097 = arith.addi %add3A_1096, %mul3A_1095 : i32
      %get3A_1098 = arith.index_cast %add3A_1097 : i32 to index
      %get3A_1099 = tpu.vector_load %arg6[%get3A_1098] {strides = array<i32>} : memref<13312xf32, #tpu.memory_space<vmem>>, vector<16xf32>,
      %add3A_1100 = arith.addf %add3A_1093, %get3A_1099 : vector<16xf32>
      %mul3A_1101 = arith.constant 16 : i32
      %mul3A_1102 = arith.muli %scan3A_1054, %mul3A_1101 : i32
      %add3A_1103 = arith.constant 3584 : i32
      %add3A_1104 = arith.addi %add3A_1103, %mul3A_1102 : i32
      %get3A_1105 = arith.index_cast %add3A_1104 : i32 to index
      %get3A_1106 = tpu.vector_load %arg6[%get3A_1105] {strides = array<i32>} : memref<13312xf32, #tpu.memory_space<vmem>>, vector<16xf32>,
      %add3A_1107 = arith.addf %add3A_1100, %get3A_1106 : vector<16xf32>
      %mul3A_1108 = arith.constant 16 : i32
      %mul3A_1109 = arith.muli %scan3A_1054, %mul3A_1108 : i32
      %add3A_1110 = arith.constant 4096 : i32
      %add3A_1111 = arith.addi %add3A_1110, %mul3A_1109 : i32
      %get3A_1112 = arith.index_cast %add3A_1111 : i32 to index
      %get3A_1113 = tpu.vector_load %arg6[%get3A_1112] {strides = array<i32>} : memref<13312xf32, #tpu.memory_space<vmem>>, vector<16xf32>,
      %add3A_1114 = arith.addf %add3A_1107, %get3A_1113 : vector<16xf32>
      %mul3A_1115 = arith.constant 16 : i32
      %mul3A_1116 = arith.muli %scan3A_1054, %mul3A_1115 : i32
      %add3A_1117 = arith.constant 4608 : i32
      %add3A_1118 = arith.addi %add3A_1117, %mul3A_1116 : i32
      %get3A_1119 = arith.index_cast %add3A_1118 : i32 to index
      %get3A_1120 = tpu.vector_load %arg6[%get3A_1119] {strides = array<i32>} : memref<13312xf32, #tpu.memory_space<vmem>>, vector<16xf32>,
      %add3A_1121 = arith.addf %add3A_1114, %get3A_1120 : vector<16xf32>
      %mul3A_1122 = arith.constant 16 : i32
      %mul3A_1123 = arith.muli %scan3A_1054, %mul3A_1122 : i32
      %add3A_1124 = arith.constant 5120 : i32
      %add3A_1125 = arith.addi %add3A_1124, %mul3A_1123 : i32
      %get3A_1126 = arith.index_cast %add3A_1125 : i32 to index
      %get3A_1127 = tpu.vector_load %arg6[%get3A_1126] {strides = array<i32>} : memref<13312xf32, #tpu.memory_space<vmem>>, vector<16xf32>,
      %add3A_1128 = arith.addf %add3A_1121, %get3A_1127 : vector<16xf32>
      %mul3A_1129 = arith.constant 16 : i32
      %mul3A_1130 = arith.muli %scan3A_1054, %mul3A_1129 : i32
      %add3A_1131 = arith.constant 5632 : i32
      %add3A_1132 = arith.addi %add3A_1131, %mul3A_1130 : i32
      %get3A_1133 = arith.index_cast %add3A_1132 : i32 to index
      %get3A_1134 = tpu.vector_load %arg6[%get3A_1133] {strides = array<i32>} : memref<13312xf32, #tpu.memory_space<vmem>>, vector<16xf32>,
      %add3A_1135 = arith.addf %add3A_1128, %get3A_1134 : vector<16xf32>
      %mul3A_1136 = arith.constant 16 : i32
      %mul3A_1137 = arith.muli %scan3A_1054, %mul3A_1136 : i32
      %add3A_1138 = arith.constant 6144 : i32
      %add3A_1139 = arith.addi %add3A_1138, %mul3A_1137 : i32
      %get3A_1140 = arith.index_cast %add3A_1139 : i32 to index
      %get3A_1141 = tpu.vector_load %arg6[%get3A_1140] {strides = array<i32>} : memref<13312xf32, #tpu.memory_space<vmem>>, vector<16xf32>,
      %add3A_1142 = arith.addf %add3A_1135, %get3A_1141 : vector<16xf32>
      %mul3A_1143 = arith.constant 16 : i32
      %mul3A_1144 = arith.muli %scan3A_1054, %mul3A_1143 : i32
      %swap3A = arith.index_cast %mul3A_1144 : i32 to index
      %swap3A_1145 = tpu.vector_load %arg7[%swap3A] {strides = array<i32>} : memref<512xf32, #tpu.memory_space<vmem>>, vector<16xf32>,
      tpu.vector_store %arg7[%swap3A], %add3A_1142 {strides = array<i32>} : memref<512xf32, #tpu.memory_space<vmem>>, vector<16xf32>,
      %scan3A_1146 = arith.constant 0 : i32
      scf.yield %scan3A_1146 : i32
    }
    %scan3A_903 = arith.constant 32 : i32
    %dma_wait3A_904 = arith.constant 13 : i32
    %dma_wait3A_905 = arith.constant 0 : i32
    %dma_wait3A_906 = arith.constant 6656 : i32
    %dma_wait3A_907 = tpu.memref_slice %arg6[%dma_wait3A_906] : memref<13312xf32, #tpu.memory_space<vmem>> -> memref<512xf32, #tpu.memory_space<vmem>>
    %dma_wait3A_908 = arith.constant 6656 : i32
    %dma_wait3A_909 = tpu.memref_slice %arg5[%dma_wait3A_908] : memref<13312xi32, #tpu.memory_space<vmem>> -> memref<512xi32, #tpu.memory_space<vmem>>
    %dma_wait3A_910 = arith.constant 0 : i32
    %dma_wait3A_911 = tpu.memref_slice %arg3[%dma_wait3A_904, %dma_wait3A_905, %dma_wait3A_910] : memref<26x1x1000000xf32, #tpu.memory_space<hbm>> -> memref<1x1x999936xf32, #tpu.memory_space<hbm>>
    %dma_wait3A_912 = tpu.memref_squeeze %dma_wait3A_911 : memref<1x1x999936xf32, #tpu.memory_space<hbm>> -> memref<999936xf32, #tpu.memory_space<hbm>>
    %dma_wait3A_913 = arith.constant 0 : i32
    %dma_wait3A_914 = tpu.memref_slice %dma_wait3A_912[%dma_wait3A_913] : memref<999936xf32, #tpu.memory_space<hbm>> -> memref<999936xf32, #tpu.memory_space<hbm>>
    tpu.wait_indirect_dma semaphore(%arg8 : memref<!tpu.dma_semaphore, #tpu.memory_space<semaphore_mem>>) src(%dma_wait3A_914 : memref<999936xf32, #tpu.memory_space<hbm>>) dst(%dma_wait3A_907 : memref<512xf32, #tpu.memory_space<vmem>>)
    %dma_wait3A_915 = arith.constant 14 : i32
    %dma_wait3A_916 = arith.constant 0 : i32
    %dma_wait3A_917 = arith.constant 7168 : i32
    %dma_wait3A_918 = tpu.memref_slice %arg6[%dma_wait3A_917] : memref<13312xf32, #tpu.memory_space<vmem>> -> memref<512xf32, #tpu.memory_space<vmem>>
    %dma_wait3A_919 = arith.constant 7168 : i32
    %dma_wait3A_920 = tpu.memref_slice %arg5[%dma_wait3A_919] : memref<13312xi32, #tpu.memory_space<vmem>> -> memref<512xi32, #tpu.memory_space<vmem>>
    %dma_wait3A_921 = arith.constant 0 : i32
    %dma_wait3A_922 = tpu.memref_slice %arg3[%dma_wait3A_915, %dma_wait3A_916, %dma_wait3A_921] : memref<26x1x1000000xf32, #tpu.memory_space<hbm>> -> memref<1x1x999936xf32, #tpu.memory_space<hbm>>
    %dma_wait3A_923 = tpu.memref_squeeze %dma_wait3A_922 : memref<1x1x999936xf32, #tpu.memory_space<hbm>> -> memref<999936xf32, #tpu.memory_space<hbm>>
    %dma_wait3A_924 = arith.constant 0 : i32
    %dma_wait3A_925 = tpu.memref_slice %dma_wait3A_923[%dma_wait3A_924] : memref<999936xf32, #tpu.memory_space<hbm>> -> memref<999936xf32, #tpu.memory_space<hbm>>
    tpu.wait_indirect_dma semaphore(%arg8 : memref<!tpu.dma_semaphore, #tpu.memory_space<semaphore_mem>>) src(%dma_wait3A_925 : memref<999936xf32, #tpu.memory_space<hbm>>) dst(%dma_wait3A_918 : memref<512xf32, #tpu.memory_space<vmem>>)
    %dma_wait3A_926 = arith.constant 15 : i32
    %dma_wait3A_927 = arith.constant 0 : i32
    %dma_wait3A_928 = arith.constant 7680 : i32
    %dma_wait3A_929 = tpu.memref_slice %arg6[%dma_wait3A_928] : memref<13312xf32, #tpu.memory_space<vmem>> -> memref<512xf32, #tpu.memory_space<vmem>>
    %dma_wait3A_930 = arith.constant 7680 : i32
    %dma_wait3A_931 = tpu.memref_slice %arg5[%dma_wait3A_930] : memref<13312xi32, #tpu.memory_space<vmem>> -> memref<512xi32, #tpu.memory_space<vmem>>
    %dma_wait3A_932 = arith.constant 0 : i32
    %dma_wait3A_933 = tpu.memref_slice %arg3[%dma_wait3A_926, %dma_wait3A_927, %dma_wait3A_932] : memref<26x1x1000000xf32, #tpu.memory_space<hbm>> -> memref<1x1x999936xf32, #tpu.memory_space<hbm>>
    %dma_wait3A_934 = tpu.memref_squeeze %dma_wait3A_933 : memref<1x1x999936xf32, #tpu.memory_space<hbm>> -> memref<999936xf32, #tpu.memory_space<hbm>>
    %dma_wait3A_935 = arith.constant 0 : i32
    %dma_wait3A_936 = tpu.memref_slice %dma_wait3A_934[%dma_wait3A_935] : memref<999936xf32, #tpu.memory_space<hbm>> -> memref<999936xf32, #tpu.memory_space<hbm>>
    tpu.wait_indirect_dma semaphore(%arg8 : memref<!tpu.dma_semaphore, #tpu.memory_space<semaphore_mem>>) src(%dma_wait3A_936 : memref<999936xf32, #tpu.memory_space<hbm>>) dst(%dma_wait3A_929 : memref<512xf32, #tpu.memory_space<vmem>>)
    %dma_wait3A_937 = arith.constant 16 : i32
    %dma_wait3A_938 = arith.constant 0 : i32
    %dma_wait3A_939 = arith.constant 8192 : i32
    %dma_wait3A_940 = tpu.memref_slice %arg6[%dma_wait3A_939] : memref<13312xf32, #tpu.memory_space<vmem>> -> memref<512xf32, #tpu.memory_space<vmem>>
    %dma_wait3A_941 = arith.constant 8192 : i32
    %dma_wait3A_942 = tpu.memref_slice %arg5[%dma_wait3A_941] : memref<13312xi32, #tpu.memory_space<vmem>> -> memref<512xi32, #tpu.memory_space<vmem>>
    %dma_wait3A_943 = arith.constant 0 : i32
    %dma_wait3A_944 = tpu.memref_slice %arg3[%dma_wait3A_937, %dma_wait3A_938, %dma_wait3A_943] : memref<26x1x1000000xf32, #tpu.memory_space<hbm>> -> memref<1x1x999936xf32, #tpu.memory_space<hbm>>
    %dma_wait3A_945 = tpu.memref_squeeze %dma_wait3A_944 : memref<1x1x999936xf32, #tpu.memory_space<hbm>> -> memref<999936xf32, #tpu.memory_space<hbm>>
    %dma_wait3A_946 = arith.constant 0 : i32
    %dma_wait3A_947 = tpu.memref_slice %dma_wait3A_945[%dma_wait3A_946] : memref<999936xf32, #tpu.memory_space<hbm>> -> memref<999936xf32, #tpu.memory_space<hbm>>
    tpu.wait_indirect_dma semaphore(%arg8 : memref<!tpu.dma_semaphore, #tpu.memory_space<semaphore_mem>>) src(%dma_wait3A_947 : memref<999936xf32, #tpu.memory_space<hbm>>) dst(%dma_wait3A_940 : memref<512xf32, #tpu.memory_space<vmem>>)
    %dma_wait3A_948 = arith.constant 17 : i32
    %dma_wait3A_949 = arith.constant 0 : i32
    %dma_wait3A_950 = arith.constant 8704 : i32
    %dma_wait3A_951 = tpu.memref_slice %arg6[%dma_wait3A_950] : memref<13312xf32, #tpu.memory_space<vmem>> -> memref<512xf32, #tpu.memory_space<vmem>>
    %dma_wait3A_952 = arith.constant 8704 : i32
    %dma_wait3A_953 = tpu.memref_slice %arg5[%dma_wait3A_952] : memref<13312xi32, #tpu.memory_space<vmem>> -> memref<512xi32, #tpu.memory_space<vmem>>
    %dma_wait3A_954 = arith.constant 0 : i32
    %dma_wait3A_955 = tpu.memref_slice %arg3[%dma_wait3A_948, %dma_wait3A_949, %dma_wait3A_954] : memref<26x1x1000000xf32, #tpu.memory_space<hbm>> -> memref<1x1x999936xf32, #tpu.memory_space<hbm>>
    %dma_wait3A_956 = tpu.memref_squeeze %dma_wait3A_955 : memref<1x1x999936xf32, #tpu.memory_space<hbm>> -> memref<999936xf32, #tpu.memory_space<hbm>>
    %dma_wait3A_957 = arith.constant 0 : i32
    %dma_wait3A_958 = tpu.memref_slice %dma_wait3A_956[%dma_wait3A_957] : memref<999936xf32, #tpu.memory_space<hbm>> -> memref<999936xf32, #tpu.memory_space<hbm>>
    tpu.wait_indirect_dma semaphore(%arg8 : memref<!tpu.dma_semaphore, #tpu.memory_space<semaphore_mem>>) src(%dma_wait3A_958 : memref<999936xf32, #tpu.memory_space<hbm>>) dst(%dma_wait3A_951 : memref<512xf32, #tpu.memory_space<vmem>>)
    %dma_wait3A_959 = arith.constant 18 : i32
    %dma_wait3A_960 = arith.constant 0 : i32
    %dma_wait3A_961 = arith.constant 9216 : i32
    %dma_wait3A_962 = tpu.memref_slice %arg6[%dma_wait3A_961] : memref<13312xf32, #tpu.memory_space<vmem>> -> memref<512xf32, #tpu.memory_space<vmem>>
    %dma_wait3A_963 = arith.constant 9216 : i32
    %dma_wait3A_964 = tpu.memref_slice %arg5[%dma_wait3A_963] : memref<13312xi32, #tpu.memory_space<vmem>> -> memref<512xi32, #tpu.memory_space<vmem>>
    %dma_wait3A_965 = arith.constant 0 : i32
    %dma_wait3A_966 = tpu.memref_slice %arg3[%dma_wait3A_959, %dma_wait3A_960, %dma_wait3A_965] : memref<26x1x1000000xf32, #tpu.memory_space<hbm>> -> memref<1x1x999936xf32, #tpu.memory_space<hbm>>
    %dma_wait3A_967 = tpu.memref_squeeze %dma_wait3A_966 : memref<1x1x999936xf32, #tpu.memory_space<hbm>> -> memref<999936xf32, #tpu.memory_space<hbm>>
    %dma_wait3A_968 = arith.constant 0 : i32
    %dma_wait3A_969 = tpu.memref_slice %dma_wait3A_967[%dma_wait3A_968] : memref<999936xf32, #tpu.memory_space<hbm>> -> memref<999936xf32, #tpu.memory_space<hbm>>
    tpu.wait_indirect_dma semaphore(%arg8 : memref<!tpu.dma_semaphore, #tpu.memory_space<semaphore_mem>>) src(%dma_wait3A_969 : memref<999936xf32, #tpu.memory_space<hbm>>) dst(%dma_wait3A_962 : memref<512xf32, #tpu.memory_space<vmem>>)
    %dma_wait3A_970 = arith.constant 19 : i32
    %dma_wait3A_971 = arith.constant 0 : i32
    %dma_wait3A_972 = arith.constant 9728 : i32
    %dma_wait3A_973 = tpu.memref_slice %arg6[%dma_wait3A_972] : memref<13312xf32, #tpu.memory_space<vmem>> -> memref<512xf32, #tpu.memory_space<vmem>>
    %dma_wait3A_974 = arith.constant 9728 : i32
    %dma_wait3A_975 = tpu.memref_slice %arg5[%dma_wait3A_974] : memref<13312xi32, #tpu.memory_space<vmem>> -> memref<512xi32, #tpu.memory_space<vmem>>
    %dma_wait3A_976 = arith.constant 0 : i32
    %dma_wait3A_977 = tpu.memref_slice %arg3[%dma_wait3A_970, %dma_wait3A_971, %dma_wait3A_976] : memref<26x1x1000000xf32, #tpu.memory_space<hbm>> -> memref<1x1x999936xf32, #tpu.memory_space<hbm>>
    %dma_wait3A_978 = tpu.memref_squeeze %dma_wait3A_977 : memref<1x1x999936xf32, #tpu.memory_space<hbm>> -> memref<999936xf32, #tpu.memory_space<hbm>>
    %dma_wait3A_979 = arith.constant 0 : i32
    %dma_wait3A_980 = tpu.memref_slice %dma_wait3A_978[%dma_wait3A_979] : memref<999936xf32, #tpu.memory_space<hbm>> -> memref<999936xf32, #tpu.memory_space<hbm>>
    tpu.wait_indirect_dma semaphore(%arg8 : memref<!tpu.dma_semaphore, #tpu.memory_space<semaphore_mem>>) src(%dma_wait3A_980 : memref<999936xf32, #tpu.memory_space<hbm>>) dst(%dma_wait3A_973 : memref<512xf32, #tpu.memory_space<vmem>>)
    %dma_wait3A_981 = arith.constant 20 : i32
    %dma_wait3A_982 = arith.constant 0 : i32
    %dma_wait3A_983 = arith.constant 10240 : i32
    %dma_wait3A_984 = tpu.memref_slice %arg6[%dma_wait3A_983] : memref<13312xf32, #tpu.memory_space<vmem>> -> memref<512xf32, #tpu.memory_space<vmem>>
    %dma_wait3A_985 = arith.constant 10240 : i32
    %dma_wait3A_986 = tpu.memref_slice %arg5[%dma_wait3A_985] : memref<13312xi32, #tpu.memory_space<vmem>> -> memref<512xi32, #tpu.memory_space<vmem>>
    %dma_wait3A_987 = arith.constant 0 : i32
    %dma_wait3A_988 = tpu.memref_slice %arg3[%dma_wait3A_981, %dma_wait3A_982, %dma_wait3A_987] : memref<26x1x1000000xf32, #tpu.memory_space<hbm>> -> memref<1x1x999936xf32, #tpu.memory_space<hbm>>
    %dma_wait3A_989 = tpu.memref_squeeze %dma_wait3A_988 : memref<1x1x999936xf32, #tpu.memory_space<hbm>> -> memref<999936xf32, #tpu.memory_space<hbm>>
    %dma_wait3A_990 = arith.constant 0 : i32
    %dma_wait3A_991 = tpu.memref_slice %dma_wait3A_989[%dma_wait3A_990] : memref<999936xf32, #tpu.memory_space<hbm>> -> memref<999936xf32, #tpu.memory_space<hbm>>
    tpu.wait_indirect_dma semaphore(%arg8 : memref<!tpu.dma_semaphore, #tpu.memory_space<semaphore_mem>>) src(%dma_wait3A_991 : memref<999936xf32, #tpu.memory_space<hbm>>) dst(%dma_wait3A_984 : memref<512xf32, #tpu.memory_space<vmem>>)
    %dma_wait3A_992 = arith.constant 21 : i32
    %dma_wait3A_993 = arith.constant 0 : i32
    %dma_wait3A_994 = arith.constant 10752 : i32
    %dma_wait3A_995 = tpu.memref_slice %arg6[%dma_wait3A_994] : memref<13312xf32, #tpu.memory_space<vmem>> -> memref<512xf32, #tpu.memory_space<vmem>>
    %dma_wait3A_996 = arith.constant 10752 : i32
    %dma_wait3A_997 = tpu.memref_slice %arg5[%dma_wait3A_996] : memref<13312xi32, #tpu.memory_space<vmem>> -> memref<512xi32, #tpu.memory_space<vmem>>
    %dma_wait3A_998 = arith.constant 0 : i32
    %dma_wait3A_999 = tpu.memref_slice %arg3[%dma_wait3A_992, %dma_wait3A_993, %dma_wait3A_998] : memref<26x1x1000000xf32, #tpu.memory_space<hbm>> -> memref<1x1x999936xf32, #tpu.memory_space<hbm>>
    %dma_wait3A_1000 = tpu.memref_squeeze %dma_wait3A_999 : memref<1x1x999936xf32, #tpu.memory_space<hbm>> -> memref<999936xf32, #tpu.memory_space<hbm>>
    %dma_wait3A_1001 = arith.constant 0 : i32
    %dma_wait3A_1002 = tpu.memref_slice %dma_wait3A_1000[%dma_wait3A_1001] : memref<999936xf32, #tpu.memory_space<hbm>> -> memref<999936xf32, #tpu.memory_space<hbm>>
    tpu.wait_indirect_dma semaphore(%arg8 : memref<!tpu.dma_semaphore, #tpu.memory_space<semaphore_mem>>) src(%dma_wait3A_1002 : memref<999936xf32, #tpu.memory_space<hbm>>) dst(%dma_wait3A_995 : memref<512xf32, #tpu.memory_space<vmem>>)
    %dma_wait3A_1003 = arith.constant 22 : i32
    %dma_wait3A_1004 = arith.constant 0 : i32
    %dma_wait3A_1005 = arith.constant 11264 : i32
    %dma_wait3A_1006 = tpu.memref_slice %arg6[%dma_wait3A_1005] : memref<13312xf32, #tpu.memory_space<vmem>> -> memref<512xf32, #tpu.memory_space<vmem>>
    %dma_wait3A_1007 = arith.constant 11264 : i32
    %dma_wait3A_1008 = tpu.memref_slice %arg5[%dma_wait3A_1007] : memref<13312xi32, #tpu.memory_space<vmem>> -> memref<512xi32, #tpu.memory_space<vmem>>
    %dma_wait3A_1009 = arith.constant 0 : i32
    %dma_wait3A_1010 = tpu.memref_slice %arg3[%dma_wait3A_1003, %dma_wait3A_1004, %dma_wait3A_1009] : memref<26x1x1000000xf32, #tpu.memory_space<hbm>> -> memref<1x1x999936xf32, #tpu.memory_space<hbm>>
    %dma_wait3A_1011 = tpu.memref_squeeze %dma_wait3A_1010 : memref<1x1x999936xf32, #tpu.memory_space<hbm>> -> memref<999936xf32, #tpu.memory_space<hbm>>
    %dma_wait3A_1012 = arith.constant 0 : i32
    %dma_wait3A_1013 = tpu.memref_slice %dma_wait3A_1011[%dma_wait3A_1012] : memref<999936xf32, #tpu.memory_space<hbm>> -> memref<999936xf32, #tpu.memory_space<hbm>>
    tpu.wait_indirect_dma semaphore(%arg8 : memref<!tpu.dma_semaphore, #tpu.memory_space<semaphore_mem>>) src(%dma_wait3A_1013 : memref<999936xf32, #tpu.memory_space<hbm>>) dst(%dma_wait3A_1006 : memref<512xf32, #tpu.memory_space<vmem>>)
    %dma_wait3A_1014 = arith.constant 23 : i32
    %dma_wait3A_1015 = arith.constant 0 : i32
    %dma_wait3A_1016 = arith.constant 11776 : i32
    %dma_wait3A_1017 = tpu.memref_slice %arg6[%dma_wait3A_1016] : memref<13312xf32, #tpu.memory_space<vmem>> -> memref<512xf32, #tpu.memory_space<vmem>>
    %dma_wait3A_1018 = arith.constant 11776 : i32
    %dma_wait3A_1019 = tpu.memref_slice %arg5[%dma_wait3A_1018] : memref<13312xi32, #tpu.memory_space<vmem>> -> memref<512xi32, #tpu.memory_space<vmem>>
    %dma_wait3A_1020 = arith.constant 0 : i32
    %dma_wait3A_1021 = tpu.memref_slice %arg3[%dma_wait3A_1014, %dma_wait3A_1015, %dma_wait3A_1020] : memref<26x1x1000000xf32, #tpu.memory_space<hbm>> -> memref<1x1x999936xf32, #tpu.memory_space<hbm>>
    %dma_wait3A_1022 = tpu.memref_squeeze %dma_wait3A_1021 : memref<1x1x999936xf32, #tpu.memory_space<hbm>> -> memref<999936xf32, #tpu.memory_space<hbm>>
    %dma_wait3A_1023 = arith.constant 0 : i32
    %dma_wait3A_1024 = tpu.memref_slice %dma_wait3A_1022[%dma_wait3A_1023] : memref<999936xf32, #tpu.memory_space<hbm>> -> memref<999936xf32, #tpu.memory_space<hbm>>
    tpu.wait_indirect_dma semaphore(%arg8 : memref<!tpu.dma_semaphore, #tpu.memory_space<semaphore_mem>>) src(%dma_wait3A_1024 : memref<999936xf32, #tpu.memory_space<hbm>>) dst(%dma_wait3A_1017 : memref<512xf32, #tpu.memory_space<vmem>>)
    %dma_wait3A_1025 = arith.constant 24 : i32
    %dma_wait3A_1026 = arith.constant 0 : i32
    %dma_wait3A_1027 = arith.constant 12288 : i32
    %dma_wait3A_1028 = tpu.memref_slice %arg6[%dma_wait3A_1027] : memref<13312xf32, #tpu.memory_space<vmem>> -> memref<512xf32, #tpu.memory_space<vmem>>
    %dma_wait3A_1029 = arith.constant 12288 : i32
    %dma_wait3A_1030 = tpu.memref_slice %arg5[%dma_wait3A_1029] : memref<13312xi32, #tpu.memory_space<vmem>> -> memref<512xi32, #tpu.memory_space<vmem>>
    %dma_wait3A_1031 = arith.constant 0 : i32
    %dma_wait3A_1032 = tpu.memref_slice %arg3[%dma_wait3A_1025, %dma_wait3A_1026, %dma_wait3A_1031] : memref<26x1x1000000xf32, #tpu.memory_space<hbm>> -> memref<1x1x999936xf32, #tpu.memory_space<hbm>>
    %dma_wait3A_1033 = tpu.memref_squeeze %dma_wait3A_1032 : memref<1x1x999936xf32, #tpu.memory_space<hbm>> -> memref<999936xf32, #tpu.memory_space<hbm>>
    %dma_wait3A_1034 = arith.constant 0 : i32
    %dma_wait3A_1035 = tpu.memref_slice %dma_wait3A_1033[%dma_wait3A_1034] : memref<999936xf32, #tpu.memory_space<hbm>> -> memref<999936xf32, #tpu.memory_space<hbm>>
    tpu.wait_indirect_dma semaphore(%arg8 : memref<!tpu.dma_semaphore, #tpu.memory_space<semaphore_mem>>) src(%dma_wait3A_1035 : memref<999936xf32, #tpu.memory_space<hbm>>) dst(%dma_wait3A_1028 : memref<512xf32, #tpu.memory_space<vmem>>)
    %dma_wait3A_1036 = arith.constant 25 : i32
    %dma_wait3A_1037 = arith.constant 0 : i32
    %dma_wait3A_1038 = arith.constant 12800 : i32
    %dma_wait3A_1039 = tpu.memref_slice %arg6[%dma_wait3A_1038] : memref<13312xf32, #tpu.memory_space<vmem>> -> memref<512xf32, #tpu.memory_space<vmem>>
    %dma_wait3A_1040 = arith.constant 12800 : i32
    %dma_wait3A_1041 = tpu.memref_slice %arg5[%dma_wait3A_1040] : memref<13312xi32, #tpu.memory_space<vmem>> -> memref<512xi32, #tpu.memory_space<vmem>>
    %dma_wait3A_1042 = arith.constant 0 : i32
    %dma_wait3A_1043 = tpu.memref_slice %arg3[%dma_wait3A_1036, %dma_wait3A_1037, %dma_wait3A_1042] : memref<26x1x1000000xf32, #tpu.memory_space<hbm>> -> memref<1x1x999936xf32, #tpu.memory_space<hbm>>
    %dma_wait3A_1044 = tpu.memref_squeeze %dma_wait3A_1043 : memref<1x1x999936xf32, #tpu.memory_space<hbm>> -> memref<999936xf32, #tpu.memory_space<hbm>>
    %dma_wait3A_1045 = arith.constant 0 : i32
    %dma_wait3A_1046 = tpu.memref_slice %dma_wait3A_1044[%dma_wait3A_1045] : memref<999936xf32, #tpu.memory_space<hbm>> -> memref<999936xf32, #tpu.memory_space<hbm>>
    tpu.wait_indirect_dma semaphore(%arg8 : memref<!tpu.dma_semaphore, #tpu.memory_space<semaphore_mem>>) src(%dma_wait3A_1046 : memref<999936xf32, #tpu.memory_space<hbm>>) dst(%dma_wait3A_1039 : memref<512xf32, #tpu.memory_space<vmem>>)
    %scan3A_1047 = arith.constant 0 : i32
    %scan3A_1048 = arith.constant 0 : i32
    %scan3A_1049 = arith.constant 32 : i32
    %scan3A_1050 = arith.addi %scan3A_1048, %scan3A_1049 : i32
    %scan3A_1051 = arith.constant 1 : i32
    %scan3A_1052 = scf.for %scan3A_1054 = %scan3A_1048 to %scan3A_1050 step %scan3A_1051 iter_args(%scan3A_1055 = %scan3A_1047) -> (i32)  : i32 {
      %mul3A_1056 = arith.constant 16 : i32
      %mul3A_1057 = arith.muli %scan3A_1054, %mul3A_1056 : i32
      %get3A = arith.index_cast %mul3A_1057 : i32 to index
      %get3A_1058 = tpu.vector_load %arg7[%get3A] {strides = array<i32>} : memref<512xf32, #tpu.memory_space<vmem>>, vector<16xf32>,
      %mul3A_1059 = arith.constant 16 : i32
      %mul3A_1060 = arith.muli %scan3A_1054, %mul3A_1059 : i32
      %add3A_1061 = arith.constant 6656 : i32
      %add3A_1062 = arith.addi %add3A_1061, %mul3A_1060 : i32
      %get3A_1063 = arith.index_cast %add3A_1062 : i32 to index
      %get3A_1064 = tpu.vector_load %arg6[%get3A_1063] {strides = array<i32>} : memref<13312xf32, #tpu.memory_space<vmem>>, vector<16xf32>,
      %add3A_1065 = arith.addf %get3A_1058, %get3A_1064 : vector<16xf32>
      %mul3A_1066 = arith.constant 16 : i32
      %mul3A_1067 = arith.muli %scan3A_1054, %mul3A_1066 : i32
      %add3A_1068 = arith.constant 7168 : i32
      %add3A_1069 = arith.addi %add3A_1068, %mul3A_1067 : i32
      %get3A_1070 = arith.index_cast %add3A_1069 : i32 to index
      %get3A_1071 = tpu.vector_load %arg6[%get3A_1070] {strides = array<i32>} : memref<13312xf32, #tpu.memory_space<vmem>>, vector<16xf32>,
      %add3A_1072 = arith.addf %add3A_1065, %get3A_1071 : vector<16xf32>
      %mul3A_1073 = arith.constant 16 : i32
      %mul3A_1074 = arith.muli %scan3A_1054, %mul3A_1073 : i32
      %add3A_1075 = arith.constant 7680 : i32
      %add3A_1076 = arith.addi %add3A_1075, %mul3A_1074 : i32
      %get3A_1077 = arith.index_cast %add3A_1076 : i32 to index
      %get3A_1078 = tpu.vector_load %arg6[%get3A_1077] {strides = array<i32>} : memref<13312xf32, #tpu.memory_space<vmem>>, vector<16xf32>,
      %add3A_1079 = arith.addf %add3A_1072, %get3A_1078 : vector<16xf32>
      %mul3A_1080 = arith.constant 16 : i32
      %mul3A_1081 = arith.muli %scan3A_1054, %mul3A_1080 : i32
      %add3A_1082 = arith.constant 8192 : i32
      %add3A_1083 = arith.addi %add3A_1082, %mul3A_1081 : i32
      %get3A_1084 = arith.index_cast %add3A_1083 : i32 to index
      %get3A_1085 = tpu.vector_load %arg6[%get3A_1084] {strides = array<i32>} : memref<13312xf32, #tpu.memory_space<vmem>>, vector<16xf32>,
      %add3A_1086 = arith.addf %add3A_1079, %get3A_1085 : vector<16xf32>
      %mul3A_1087 = arith.constant 16 : i32
      %mul3A_1088 = arith.muli %scan3A_1054, %mul3A_1087 : i32
      %add3A_1089 = arith.constant 8704 : i32
      %add3A_1090 = arith.addi %add3A_1089, %mul3A_1088 : i32
      %get3A_1091 = arith.index_cast %add3A_1090 : i32 to index
      %get3A_1092 = tpu.vector_load %arg6[%get3A_1091] {strides = array<i32>} : memref<13312xf32, #tpu.memory_space<vmem>>, vector<16xf32>,
      %add3A_1093 = arith.addf %add3A_1086, %get3A_1092 : vector<16xf32>
      %mul3A_1094 = arith.constant 16 : i32
      %mul3A_1095 = arith.muli %scan3A_1054, %mul3A_1094 : i32
      %add3A_1096 = arith.constant 9216 : i32
      %add3A_1097 = arith.addi %add3A_1096, %mul3A_1095 : i32
      %get3A_1098 = arith.index_cast %add3A_1097 : i32 to index
      %get3A_1099 = tpu.vector_load %arg6[%get3A_1098] {strides = array<i32>} : memref<13312xf32, #tpu.memory_space<vmem>>, vector<16xf32>,
      %add3A_1100 = arith.addf %add3A_1093, %get3A_1099 : vector<16xf32>
      %mul3A_1101 = arith.constant 16 : i32
      %mul3A_1102 = arith.muli %scan3A_1054, %mul3A_1101 : i32
      %add3A_1103 = arith.constant 9728 : i32
      %add3A_1104 = arith.addi %add3A_1103, %mul3A_1102 : i32
      %get3A_1105 = arith.index_cast %add3A_1104 : i32 to index
      %get3A_1106 = tpu.vector_load %arg6[%get3A_1105] {strides = array<i32>} : memref<13312xf32, #tpu.memory_space<vmem>>, vector<16xf32>,
      %add3A_1107 = arith.addf %add3A_1100, %get3A_1106 : vector<16xf32>
      %mul3A_1108 = arith.constant 16 : i32
      %mul3A_1109 = arith.muli %scan3A_1054, %mul3A_1108 : i32
      %add3A_1110 = arith.constant 10240 : i32
      %add3A_1111 = arith.addi %add3A_1110, %mul3A_1109 : i32
      %get3A_1112 = arith.index_cast %add3A_1111 : i32 to index
      %get3A_1113 = tpu.vector_load %arg6[%get3A_1112] {strides = array<i32>} : memref<13312xf32, #tpu.memory_space<vmem>>, vector<16xf32>,
      %add3A_1114 = arith.addf %add3A_1107, %get3A_1113 : vector<16xf32>
      %mul3A_1115 = arith.constant 16 : i32
      %mul3A_1116 = arith.muli %scan3A_1054, %mul3A_1115 : i32
      %add3A_1117 = arith.constant 10752 : i32
      %add3A_1118 = arith.addi %add3A_1117, %mul3A_1116 : i32
      %get3A_1119 = arith.index_cast %add3A_1118 : i32 to index
      %get3A_1120 = tpu.vector_load %arg6[%get3A_1119] {strides = array<i32>} : memref<13312xf32, #tpu.memory_space<vmem>>, vector<16xf32>,
      %add3A_1121 = arith.addf %add3A_1114, %get3A_1120 : vector<16xf32>
      %mul3A_1122 = arith.constant 16 : i32
      %mul3A_1123 = arith.muli %scan3A_1054, %mul3A_1122 : i32
      %add3A_1124 = arith.constant 11264 : i32
      %add3A_1125 = arith.addi %add3A_1124, %mul3A_1123 : i32
      %get3A_1126 = arith.index_cast %add3A_1125 : i32 to index
      %get3A_1127 = tpu.vector_load %arg6[%get3A_1126] {strides = array<i32>} : memref<13312xf32, #tpu.memory_space<vmem>>, vector<16xf32>,
      %add3A_1128 = arith.addf %add3A_1121, %get3A_1127 : vector<16xf32>
      %mul3A_1129 = arith.constant 16 : i32
      %mul3A_1130 = arith.muli %scan3A_1054, %mul3A_1129 : i32
      %add3A_1131 = arith.constant 11776 : i32
      %add3A_1132 = arith.addi %add3A_1131, %mul3A_1130 : i32
      %get3A_1133 = arith.index_cast %add3A_1132 : i32 to index
      %get3A_1134 = tpu.vector_load %arg6[%get3A_1133] {strides = array<i32>} : memref<13312xf32, #tpu.memory_space<vmem>>, vector<16xf32>,
      %add3A_1135 = arith.addf %add3A_1128, %get3A_1134 : vector<16xf32>
      %mul3A_1136 = arith.constant 16 : i32
      %mul3A_1137 = arith.muli %scan3A_1054, %mul3A_1136 : i32
      %add3A_1138 = arith.constant 12288 : i32
      %add3A_1139 = arith.addi %add3A_1138, %mul3A_1137 : i32
      %get3A_1140 = arith.index_cast %add3A_1139 : i32 to index
      %get3A_1141 = tpu.vector_load %arg6[%get3A_1140] {strides = array<i32>} : memref<13312xf32, #tpu.memory_space<vmem>>, vector<16xf32>,
      %add3A_1142 = arith.addf %add3A_1135, %get3A_1141 : vector<16xf32>
      %mul3A_1143 = arith.constant 16 : i32
      %mul3A_1144 = arith.muli %scan3A_1054, %mul3A_1143 : i32
      %add3A_1145 = arith.constant 12800 : i32
      %add3A_1146 = arith.addi %add3A_1145, %mul3A_1144 : i32
      %get3A_1147 = arith.index_cast %add3A_1146 : i32 to index
      %get3A_1148 = tpu.vector_load %arg6[%get3A_1147] {strides = array<i32>} : memref<13312xf32, #tpu.memory_space<vmem>>, vector<16xf32>,
      %add3A_1149 = arith.addf %add3A_1142, %get3A_1148 : vector<16xf32>
      %mul3A_1150 = arith.constant 16 : i32
      %mul3A_1151 = arith.muli %scan3A_1054, %mul3A_1150 : i32
      %swap3A = arith.index_cast %mul3A_1151 : i32 to index
      %swap3A_1152 = tpu.vector_load %arg7[%swap3A] {strides = array<i32>} : memref<512xf32, #tpu.memory_space<vmem>>, vector<16xf32>,
      tpu.vector_store %arg7[%swap3A], %add3A_1149 {strides = array<i32>} : memref<512xf32, #tpu.memory_space<vmem>>, vector<16xf32>,
      %scan3A_1153 = arith.constant 0 : i32
      scf.yield %scan3A_1153 : i32
    }
    %scan3A_1053 = arith.constant 32 : i32
    "tpu.region"() ({
      %run_scoped3A = tpu.sem_alloc : memref<!tpu.dma_semaphore, #tpu.memory_space<semaphore_mem>>
      %dma_start3A_1054 = tpu.memref_slice %arg4[%mul3A_2] : memref<16384xf32, #tpu.memory_space<hbm>> -> memref<512xf32, #tpu.memory_space<hbm>>
      %dma_start3A_1055 = tpu.memref_slice %arg4[%mul3A_2] : memref<16384xf32, #tpu.memory_space<hbm>> -> memref<512xf32, #tpu.memory_space<hbm>>
      tpu.enqueue_dma source(%arg7 : memref<512xf32, #tpu.memory_space<vmem>>) target(%dma_start3A_1055 : memref<512xf32, #tpu.memory_space<hbm>>) target_semaphore(%run_scoped3A : memref<!tpu.dma_semaphore, #tpu.memory_space<semaphore_mem>>)
      %dma_wait3A_1056 = tpu.memref_slice %arg4[%mul3A_2] : memref<16384xf32, #tpu.memory_space<hbm>> -> memref<512xf32, #tpu.memory_space<hbm>>
      %dma_wait3A_1057 = tpu.memref_slice %arg4[%mul3A_2] : memref<16384xf32, #tpu.memory_space<hbm>> -> memref<512xf32, #tpu.memory_space<hbm>>
      tpu.wait_dma2 semaphore(%run_scoped3A : memref<!tpu.dma_semaphore, #tpu.memory_space<semaphore_mem>>) src(%arg7 : memref<512xf32, #tpu.memory_space<vmem>>) dst(%dma_wait3A_1057 : memref<512xf32, #tpu.memory_space<hbm>>)
      tpu.yield
    }) : () -> ()
    return
  }
}

</mosaic_0001>

<sc_bundles>
// kernel: kernel.3.cloned.1.call-start
scs
__scs_entry_jumppad:
0x0: {  	(pc) =	sbr.rel $0x88, $3  }
0x1: {  	(tag) =	ssettag $0x0;
	lr =	simm.s32 $0x1  }
0x2: {  	[smem:$0x3F9F] =	sst lr;
	_ =	strace $0xD0000000  }
0x3: {  	_ = 	snop  }
0x4: {  	_ = 	snop  }
0x5: {  	_ = 	snop  }
0x6: {  	_ = 	snop  }
0x7: {  	_ = 	snop  }
__scs_overlays_trampoline_lowered:
0x8: {  	[smem:$0x3FAE] =	sst s0  }
0x9: {  	[smem:$0x3FAF] =	sst s1  }
0xa: {  	[smem:$0x3FB0] =	sst s2  }
0xb: {  	[smem:$0x3FB1] =	sst s3  }
0xc: {  	[smem:$0x3FB2] =	sst s4  }
0xd: {  	[smem:$0x3FB3] =	sst s5  }
0xe: {  	[smem:$0x3FB4] =	sst s6  }
0xf: {  	[smem:$0x3FB5] =	sst s7  }
0x10: {  	[smem:$0x3FB6] =	sst s8  }
0x11: {  	[smem:$0x3FB7] =	sst s9;
	s0 =	simm.s32 @!p0 $0x0  }
0x12: {  	s1 =	sld [smem:$0x3F9D];
	s0 =	simm.s32 @p0 $0x1  }
0x13: {  	[smem:$0x3FB8] =	sst s0;
	s0 =	simm.s32 @!p1 $0x0  }
0x14: {  	s2 =	sld [smem:$0x3F9C];
	s0 =	simm.s32 @p1 $0x1  }
0x15: {  	[smem:$0x3FB9] =	sst s0;
	s0 =	simm.s32 @!p2 $0x0  }
0x16: {  	s3 =	sld [smem:$0x3FDB];
	s0 =	simm.s32 @p2 $0x1  }
0x17: {  	s4 =	simm.s32 $0x1BF5;
	[smem:$0x3FBB] =	sst s0  }
0x18: {  	s0 =	sld [smem:$0x3F9E];
	_ =	swait.ge [sflag:s4], $0x0  }
0x19: {  	s7 =	sld [smem:$0x3F9F]  }
0x1a: {  	s8 =	sadd.s32 $0xFFFFE003, lr  }
0x1b: {  	s9 =	sadd.s32 $0xFFFFFEF7, lr;
	s5 =	simm.s32 $0xFFFFFFFF;
	p2 =	slt.u32 s8, $0xFFFFF086  }
0x1c: {  	p1 =	slt.u32 s9, $0xF7A;
	s5 =	simm.s32 @!p2 $0x0  }
0x1d: {  	s5 =	simm.s32 @p1 $0x1;
	p0 =	seq.s32 s7, s2  }
0x1e: {  	s7 =	smul.u32 @!p0 $0xF7A, s2;
	p2 =	seq.s32 @!p0 s5, $0x0  }
0x1f: {  	s9 =	smul.u32 $0xF7A, s1;
	s8 =	simm.s32 @!p0 $0x1BF5;
	p2 =	por !p2, p0  }
0x20: {  	[sflag:s8] =	ssyncset.s32 @!p0 $0xFFFFF086;
	s6 =	sadd.s32 @!p0 s3, s7;
	s7 =	simm.s32 @!p0 $0x108  }
0x21: {  	s3 =	sadd.s32 s3, s9;
	s6 =	sadd.s32 @!p0 $0x88, s6;
	s7 =	simm.s32 @p2 $0x1082  }
0x22: {  	[simem:s7], [sflag:s8] =	dma.local @!p0 [hbm:s6], $0xF7A  }
0x23: {  	s9 =	sor.u32 $0xD0000000, s2;
	s6 =	simm.s32 $0x108;
	_ =	swait.ge @!p0 [sflag:s8], $0x0  }
0x24: {  	s3 =	sadd.s32 $0x88, s3;
	s6 =	simm.s32 @!p1 $0x1082;
	[sflag:s4] =	ssyncset.s32 $0xFFFFF086  }
0x25: {  	[simem:s6], [sflag:s4] =	dma.local [hbm:s3], $0xF7A  }
0x26: {  	[smem:$0x3F9F] =	sst s1;
	(tag) =	ssettag s2;
	_ =	strace s9  }
0x27: {  	s1 =	sld [smem:$0x3FAF]  }
0x28: {  	s2 =	sld [smem:$0x3FB0]  }
0x29: {  	s4 =	sld [smem:$0x3FB2]  }
0x2a: {  	p0 =	seq.s32 s5, $0x0;
	s5 =	sld [smem:$0x3FB3]  }
0x2b: {  	s6 =	sld [smem:$0x3FB4]  }
0x2c: {  	s7 =	sld [smem:$0x3FB5]  }
0x2d: {  	s3 =	simm.s32 $0x108;
	s8 =	sld [smem:$0x3FB6]  }
0x2e: {  	s3 =	simm.s32 @!p0 $0x1082;
	s9 =	sld [smem:$0x3FB7]  }
0x2f: {  	lr =	sadd.s32 s0, s3;
	s0 =	sld [smem:$0x3FAE]  }
0x30: {  	s3 =	sld [smem:$0x3FB1]  }
0x31: {  	[smem:$0x3FBA] =	sst s10  }
0x32: {  	s10 =	sld [smem:$0x3FB8];
	_ =	sdelay $0x3  }
0x33: {  	p0 =	seq.s32 s10, $0x1;
	s10 =	sld [smem:$0x3FBA];
	_ =	sdelay $0x3  }
0x34: {  	[smem:$0x3FBA] =	sst s10  }
0x35: {  	s10 =	sld [smem:$0x3FB9];
	_ =	sdelay $0x3  }
0x36: {  	p1 =	seq.s32 s10, $0x1;
	s10 =	sld [smem:$0x3FBA];
	_ =	sdelay $0x3  }
0x37: {  	[smem:$0x3FBA] =	sst s10  }
0x38: {  	s10 =	sld [smem:$0x3FBB]  }
0x39: {  	_ = 	snop;
	(pc) =	sbr.ind lr, $3  }
0x3a: {  	_ = 	snop  }
0x3b: {  	_ = 	snop  }
0x3c: {  	p2 =	seq.s32 s10, $0x1;
	s10 =	sld [smem:$0x3FBA]  }
0x3d: {  	_ =	shalt  }
0x3e: {  	_ =	shalt  }
0x3f: {  	_ =	shalt  }
0x40: {  	_ =	shalt  }
0x41: {  	_ =	shalt  }
0x42: {  	_ =	shalt  }
0x43: {  	_ =	shalt  }
0x44: {  	_ =	shalt  }
0x45: {  	_ =	shalt  }
0x46: {  	_ =	shalt  }
0x47: {  	_ =	shalt  }
0x48: {  	_ =	shalt  }
0x49: {  	_ =	shalt  }
0x4a: {  	_ =	shalt  }
0x4b: {  	_ =	shalt  }
0x4c: {  	_ =	shalt  }
0x4d: {  	_ =	shalt  }
0x4e: {  	_ =	shalt  }
0x4f: {  	_ =	shalt  }
0x50: {  	_ =	shalt  }
0x51: {  	_ =	shalt  }
0x52: {  	_ =	shalt  }
0x53: {  	_ =	shalt  }
0x54: {  	_ =	shalt  }
0x55: {  	_ =	shalt  }
0x56: {  	_ =	shalt  }
0x57: {  	_ =	shalt  }
0x58: {  	_ =	shalt  }
0x59: {  	_ =	shalt  }
0x5a: {  	_ =	shalt  }
0x5b: {  	_ =	shalt  }
0x5c: {  	_ =	shalt  }
0x5d: {  	_ =	shalt  }
0x5e: {  	_ =	shalt  }
0x5f: {  	_ =	shalt  }
0x60: {  	_ =	shalt  }
0x61: {  	_ =	shalt  }
0x62: {  	_ =	shalt  }
0x63: {  	_ =	shalt  }
0x64: {  	_ =	shalt  }
0x65: {  	_ =	shalt  }
0x66: {  	_ =	shalt  }
0x67: {  	_ =	shalt  }
0x68: {  	_ =	shalt  }
0x69: {  	_ =	shalt  }
0x6a: {  	_ =	shalt  }
0x6b: {  	_ =	shalt  }
0x6c: {  	_ =	shalt  }
0x6d: {  	_ =	shalt  }
0x6e: {  	_ =	shalt  }
0x6f: {  	_ =	shalt  }
0x70: {  	_ =	shalt  }
0x71: {  	_ =	shalt  }
0x72: {  	_ =	shalt  }
0x73: {  	_ =	shalt  }
0x74: {  	_ =	shalt  }
0x75: {  	_ =	shalt  }
0x76: {  	_ =	shalt  }
0x77: {  	_ =	shalt  }
0x78: {  	_ =	shalt  }
0x79: {  	_ =	shalt  }
0x7a: {  	_ =	shalt  }
0x7b: {  	_ =	shalt  }
0x7c: {  	_ =	shalt  }
0x7d: {  	_ =	shalt  }
0x7e: {  	_ =	shalt  }
0x7f: {  	_ =	shalt  }
0x80: {  	_ =	shalt  }
0x81: {  	_ =	shalt  }
0x82: {  	_ =	shalt  }
0x83: {  	_ =	shalt  }
0x84: {  	_ =	shalt  }
0x85: {  	_ =	shalt  }
0x86: {  	_ =	shalt  }
0x87: {  	_ =	shalt  }
.Lfunc_end0:
.L_simem_size_0:
called_computation_lowered:
.L_overlay_start_0:
0x88: {  	s2 =	sld [smem:$0x3FD9]  }
0x89: {  	s3 =	sld [smem:$0x3FFE];
	_ =	sdelay $0x1  }
0x8a: {  	s1 =	srdreg.scid  }
0x8b: {  	s0 =	sand.u32 $0x1, s1  }
0x8c: {  	s18 =	sshll.u32 s0, $0xA;
	s2 =	sadd.s32 s3, s2  }
0x8d: {  	s2 =	sadd.s32 s2, s18  }
0x8e: {  	[smem:$0x3FC6] =	sst s2  }
0x8f: {  	_ = 	snop  }
0x90: {  	s2 =	sld [smem:$0x3FC9]  }
0x91: {  	s19 =	sld [smem:$0x3FC8]  }
0x92: {  	s4 =	sld [smem:$0x3FD0];
	(tm) =	ssettm $0x1  }
0x93: {  	s5 =	sld [smem:$0x3FFB];
	_ =	sdelay $0x3  }
0x94: {  	_ =	strace s5  }
0x95: {  	s5 =	sld [smem:$0x3FFC];
	_ =	sdelay $0x3  }
0x96: {  	_ =	strace s5  }
0x97: {  	s5 =	sld [smem:$0x3FFD];
	_ =	sdelay $0x3  }
0x98: {  	_ =	strace s5  }
0x99: {  	_ =	strace $0x8FFFFFFF  }
0x9a: {  	s20 =	sld [smem:$0x3FDB];
	_ =	sdelay $0x1  }
0x9b: {  	s6 =	simm.s32 $_scs_section_size  }
0x9c: {  	s7 =	simm.s32 $_size__tile_overlayer_lowered;
	s8 =	simm.s32 $_tile_overlayer_lowered  }
0x9d: {  	s23 =	simm.s32 $0x1BFF;
	s22 =	sshll.u32 s8, $0x1;
	s5 =	sadd.s32 s6, s20  }
0x9e: {  	s9 =	simm.s32 $0x0;
	s21 =	sshll.u32 s7, $0x1;
	s7 =	sadd.s32 s22, s5  }
0x9f: {  	[timem:s9], [sflag:s23] =	dma.local [hbm:s7], s21  }
0xa0: {  	_ =	swait.ge [sflag:s23], s21  }
0xa1: {  	s6 =	ssub.s32 $0x0, s21;
	[sflag:s23] =	ssyncset.done $0x0  }
0xa2: {  	[sflag:s23] =	ssyncadd.s32 s6;
	_ =	sdelay $0x1  }
0xa3: {  	s24 =	simm.s32 $0x1B8B  }
0xa4: {  	_ =	swait.ge [sflag:s24], $0x1  }
0xa5: {  	[sflag:s24] =	ssyncset.done $0x0  }
0xa6: {  	s25 =	simm.s32 $0x1B8E;
	[sflag:s24] =	ssyncadd.s32 $0xFFFFFFFF  }
0xa7: {  	s26 =	simm.s32 $execute0_lowered;
	[smem:$0x3FD2] =	sst s25  }
0xa8: {  	s6 =	sshll.u32 s26, $0x1;
	_ =	strace $0x80000046;
	[dreg:$0x1] =	wrdreg $0xFFFFFFFF  }
0xa9: {  	s28 =	simm.s32 $_size_execute0_lowered;
	s5 =	sadd.s32 s5, s6;
	[dreg:$0x0] =	wrdreg $0x0  }
0xaa: {  	s6 =	sshll.u32 s28, $0x1;
	[dreg:$0x2] =	wrdreg s5  }
0xab: {  	[dreg:$0x3] =	wrdreg s6  }
0xac: {  	[dreg:$0x4] =	wrdreg $0xC0  }
0xad: {  	_ =	task [dreg:s9], $0x5FFFF  }
0xae: {  	[dreg:$0x1] =	wrdreg $0xFFFFFFFF  }
0xaf: {  	[dreg:$0x0] =	wrdreg $0x60  }
0xb0: {  	[dreg:$0x2] =	wrdreg s2  }
0xb1: {  	[dreg:$0x3] =	wrdreg s19  }
0xb2: {  	[dreg:$0x4] =	wrdreg s4  }
0xb3: {  	[dreg:$0x5] =	wrdreg $0x9  }
0xb4: {  	_ =	task.clear_ibuf [dreg:s9], $0x6FFFF;
	_ =	strace $0x90000046  }
0xb5: {  	s29 =	simm.s32 $0x9;
	_ =	strace $0x80000048  }
0xb6: {  	_ =	swait.ge [sflag:s29], $0x1  }
0xb7: {  	[sflag:s29] =	ssyncadd.s32 $0xFFFFFFFF  }
0xb8: {  	_ =	strace $0x90000048  }
0xb9: {  	_ =	sfence  }
0xba: {  	s30 =	sld [smem:$0x0];
	_ =	sdelay $0x2  }
0xbb: {  	s31 =	sshll.u32 s1, $0xD;
	s1 =	sshrl.u32 s1, $0x2  }
0xbc: {  	s3 =	sand.u32 $0x4000, s31;
	s1 =	sadd.s32 s1, s30  }
0xbd: {  	s0 =	sor.u32 s3, s0;
	s1 =	sshll.u32 s1, $0x11  }
0xbe: {  	s0 =	sor.u32 s1, s0  }
0xbf: {  	s0 =	sadd.s32 $0x8F2B, s0  }
0xc0: {  	[sflag:s0] =	ssyncadd.remote.s32 $0x1  }
0xc1: {  	_ =	sfence.sel $0xFFFF  }
0xc2: {  	[dreg:$0x0] =	wrdreg $0xFFFFFFFF;
	(pc) =	sbr.abs _section_cstart, $3  }
0xc3: {  	[dreg:$0x1] =	wrdreg $0xFFFFFFFF  }
0xc4: {  	_ =	task.clear_ibuf [dreg:s9], $0x2FFFF;
	_ =	strace $0x9FFFFFFF  }
0xc5: {  	(tm) =	ssettm $0x7FFFFFFF  }
tec
execute0_lowered:
.L_overlay_start_1:
0x0: {  	(tag) =	ssettag $0x1  }
0x1: {  	s0 =	rddreg [dreg:$0x0]  }
0x2: {  	s7 =	rddreg [dreg:$0x1];
	s1 =	srdreg.scid  }
0x3: {  	s2 =	rddreg [dreg:$0x2];
	s3 =	stileid.u32;
	s1 =	sand.u32 $0x1, s1  }
0x4: {  	s4 =	sshll.u32 s3, $0xA;
	s3 =	simm.s32 $0x0;
	s5 =	sshll.u32 s1, $0x9  }
0x5: {  	s18 =	sadd.s32 $0x1E850, s7;
	[smem:$0x7FF] =	sst s3;
	s5 =	sor.u32 s5, s4  }
0x6: {  	_ =	strace $0x80000047;
	[dreg:$0x18] =	wrdreg s18;
	s4 =	sadd.s32 s0, s5  }
0x7: {  	s19 =	sadd.s32 $0x50, s4;
	[smem:$0x7F9] =	sst s4  }
0x8: {  	s20 =	sadd.s32 $0x70, s4;
	[dreg:$0x4] =	wrdreg s19  }
0x9: {  	s21 =	sadd.s32 $0x4000, s4;
	[dreg:$0x5] =	wrdreg s20  }
0xa: {  	s22 =	sadd.s32 $0x4010, s4;
	[dreg:$0x6] =	wrdreg s21  }
0xb: {  	s23 =	sadd.s32 $0x4020, s4;
	[dreg:$0x7] =	wrdreg s22  }
0xc: {  	s24 =	sadd.s32 $0x4030, s4;
	[dreg:$0x8] =	wrdreg s23  }
0xd: {  	s25 =	sadd.s32 $0x4040, s4;
	[dreg:$0x9] =	wrdreg s24  }
0xe: {  	s1 =	ssub.s32 $0x2, s1;
	s26 =	sadd.s32 $0x4050, s4;
	[dreg:$0xa] =	wrdreg s25  }
0xf: {  	s6 =	sshrl.u32 s1, $0x1;
	s28 =	sadd.s32 $0x4060, s4;
	[dreg:$0xb] =	wrdreg s26  }
0x10: {  	s0 =	ssub.s32 s1, s6;
	s6 =	sadd.s32 $0x4070, s4;
	[dreg:$0xc] =	wrdreg s28  }
0x11: {  	s8 =	sadd.s32 $0x8000, s4;
	[dreg:$0xd] =	wrdreg s6  }
0x12: {  	s9 =	sadd.s32 $0x8010, s4;
	[dreg:$0xe] =	wrdreg s8  }
0x13: {  	s10 =	sadd.s32 $0x8020, s4;
	[dreg:$0xf] =	wrdreg s9  }
0x14: {  	s11 =	sadd.s32 $0x8030, s4;
	[dreg:$0x10] =	wrdreg s10  }
0x15: {  	s12 =	sadd.s32 $0x8040, s4;
	[dreg:$0x11] =	wrdreg s11  }
0x16: {  	s13 =	sadd.s32 $0x8050, s4;
	[dreg:$0x12] =	wrdreg s12  }
0x17: {  	s14 =	sadd.s32 $0x8060, s4;
	[dreg:$0x13] =	wrdreg s13  }
0x18: {  	s15 =	sadd.s32 $0x8070, s4;
	[dreg:$0x14] =	wrdreg s14  }
0x19: {  	s16 =	sadd.s32 $0xC000, s4;
	[dreg:$0x15] =	wrdreg s15  }
0x1a: {  	s17 =	sadd.s32 $0xC010, s4;
	[dreg:$0x16] =	wrdreg s16  }
0x1b: {  	s0 =	smax.u32 s0, $0x1;
	[dreg:$0x17] =	wrdreg s17  }
0x1c: {  	s18 =	sadd.s32 $0x30, s4;
	[smem:$0x7EA] =	sst s0  }
0x1d: {  	s19 =	sadd.s32 $0x3D0A0, s7;
	[smem:$0x7F3] =	sst s18  }
0x1e: {  	s20 =	sadd.s32 $0x5B8F0, s7;
	[dreg:$0x19] =	wrdreg s19  }
0x1f: {  	s21 =	sadd.s32 $0x7A140, s7;
	[dreg:$0x1a] =	wrdreg s20  }
0x20: {  	s22 =	sadd.s32 $0x98990, s7;
	[dreg:$0x1b] =	wrdreg s21  }
0x21: {  	s23 =	sadd.s32 $0xB71E0, s7;
	[dreg:$0x1c] =	wrdreg s22  }
0x22: {  	s24 =	sadd.s32 $0xD5A30, s7;
	[dreg:$0x1d] =	wrdreg s23  }
0x23: {  	s25 =	sadd.s32 $0xF4280, s7;
	[dreg:$0x1e] =	wrdreg s24  }
0x24: {  	s28 =	sadd.s32 $0x112AD0, s7;
	[dreg:$0x1f] =	wrdreg s25  }
0x25: {  	s6 =	sadd.s32 $0x131320, s7;
	[smem:$0x7E5] =	sst s28  }
0x26: {  	s8 =	sadd.s32 $0x14FB70, s7;
	[smem:$0x7E6] =	sst s6  }
0x27: {  	s9 =	sadd.s32 $0x16E3C0, s7;
	[smem:$0x7E8] =	sst s8  }
0x28: {  	s10 =	sadd.s32 $0x18CC10, s7;
	[smem:$0x7E9] =	sst s9  }
0x29: {  	s11 =	sadd.s32 $0x1AB460, s7;
	[smem:$0x7EB] =	sst s10  }
0x2a: {  	s12 =	sadd.s32 $0x10, s4;
	[smem:$0x7EC] =	sst s11  }
0x2b: {  	s13 =	sadd.s32 $0x1C9CB0, s7;
	[smem:$0x7ED] =	sst s12  }
0x2c: {  	s14 =	sadd.s32 $0x1E8500, s7;
	[smem:$0x7EE] =	sst s13  }
0x2d: {  	s15 =	sadd.s32 $0x20, s4;
	[smem:$0x7EF] =	sst s14  }
0x2e: {  	s16 =	sadd.s32 $0x206D50, s7;
	[smem:$0x7F0] =	sst s15  }
0x2f: {  	s29 =	simm.s32 $0x80;
	s17 =	sadd.s32 $0x2255A0, s7;
	[smem:$0x7F1] =	sst s16  }
0x30: {  	s30 =	simm.s32 $0x400;
	s26 =	sshrl.u32 s5, $0x3;
	[smem:$0x7F2] =	sst s17  }
0x31: {  	s1 =	sadd.s32 s2, s26;
	s19 =	sadd.s32 $0x243DF0, s7;
	s20 =	sadd.s32 $0x262640, s7  }
0x32: {  	s31 =	simm.s32 $0x200;
	s22 =	sadd.s32 $0x280E90, s7;
	[smem:$0x7E7] =	sst s1  }
0x33: {  	s18 =	simm.s32 $0x1E00;
	s23 =	sadd.s32 $0x29F6E0, s7;
	[smem:$0x7F4] =	sst s19  }
0x34: {  	s21 =	sadd.s32 $0x40, s4;
	s25 =	sadd.s32 $0x2BDF30, s7;
	[smem:$0x7F5] =	sst s20  }
0x35: {  	s24 =	sadd.s32 $0x60, s4;
	s26 =	sadd.s32 $0x2DC780, s7;
	[smem:$0x7F6] =	sst s21  }
0x36: {  	s28 =	sadd.s32 $0x2FAFD0, s7;
	s8 =	simm.s32 $0xA00;
	[smem:$0x7F7] =	sst s22  }
0x37: {  	s9 =	simm.s32 $0xC00;
	s10 =	simm.s32 $0xE00;
	[smem:$0x7F8] =	sst s23  }
0x38: {  	s11 =	simm.s32 $0x1000;
	s12 =	simm.s32 $0x1200;
	[smem:$0x7FA] =	sst s24  }
0x39: {  	s13 =	simm.s32 $0x1400;
	s14 =	simm.s32 $0x1600;
	[smem:$0x7FB] =	sst s25  }
0x3a: {  	s15 =	simm.s32 $0x1800;
	s16 =	simm.s32 $0x1A00;
	[smem:$0x7FC] =	sst s26  }
0x3b: {  	s17 =	simm.s32 $0x1C00;
	s4 =	simm.s32 $0x2E00;
	[smem:$0x7FD] =	sst s28  }
0x3c: {  	s1 =	simm.s32 $0x2;
	s24 =	simm.s32 $0x1;
	s26 =	simm.s32 $0x0  }
0x3d: {  	s19 =	simm.s32 $0x2000;
	s20 =	simm.s32 $0x2200;
	s21 =	simm.s32 $0x2400  }
0x3e: {  	s22 =	simm.s32 $0x2600;
	s23 =	simm.s32 $0x2A00;
	s25 =	simm.s32 $0x2C00  }
.LBB2_1:
0x3f: {  	s0 =	sld [smem:$0x7F9];
	_ =	sdelay $0x1  }
0x40: {  	s5 =	sld [smem:$0x7ED]  }
0x41: {  	[tilespmem:s3], [sflag:$0x2] =	stream.strided.gather [hbm4b:s0+s29], $0x200, s30, s29, $0x38;
	[tilespmem:$0x6A00] =	vst v63  }
0x42: {  	s0 =	sld [smem:$0x7F0]  }
0x43: {  	[tilespmem:s31], [sflag:$0x2] =	stream.strided.gather [hbm4b:s5+s29], $0x200, s30, s29, $0x38;
	[tilespmem:$0x6A00] =	vst v63  }
0x44: {  	s2 =	sld [smem:$0x7F3]  }
0x45: {  	[tilespmem:s30], [sflag:$0x2] =	stream.strided.gather [hbm4b:s0+s29], $0x200, s30, s29, $0x38;
	[tilespmem:$0x6A00] =	vst v63  }
0x46: {  	s7 =	simm.s32 $0x600;
	s3 =	sld [smem:$0x7F6]  }
0x47: {  	[tilespmem:s7], [sflag:$0x2] =	stream.strided.gather [hbm4b:s2+s29], $0x200, s30, s29, $0x38;
	[tilespmem:$0x6A00] =	vst v63  }
0x48: {  	s28 =	simm.s32 $0x800;
	s6 =	rddreg [dreg:$0x4]  }
0x49: {  	[tilespmem:s28], [sflag:$0x2] =	stream.strided.gather [hbm4b:s3+s29], $0x200, s30, s29, $0x38;
	[tilespmem:$0x6A00] =	vst v63  }
0x4a: {  	s0 =	sld [smem:$0x7FA]  }
0x4b: {  	[tilespmem:s8], [sflag:$0x2] =	stream.strided.gather [hbm4b:s6+s29], $0x200, s30, s29, $0x38;
	[tilespmem:$0x6A00] =	vst v63  }
0x4c: {  	_ = 	snop  }
0x4d: {  	[tilespmem:s9], [sflag:$0x2] =	stream.strided.gather [hbm4b:s0+s29], $0x200, s30, s29, $0x38;
	[tilespmem:$0x6A00] =	vst v63  }
0x4e: {  	s2 =	rddreg [dreg:$0x5]  }
0x4f: {  	[tilespmem:s10], [sflag:$0x2] =	stream.strided.gather [hbm4b:s2+s29], $0x200, s30, s29, $0x38;
	[tilespmem:$0x6A00] =	vst v63  }
0x50: {  	s3 =	rddreg [dreg:$0x6]  }
0x51: {  	[tilespmem:s11], [sflag:$0x2] =	stream.strided.gather [hbm4b:s3+s29], $0x200, s30, s29, $0x38;
	[tilespmem:$0x6A00] =	vst v63  }
0x52: {  	s6 =	rddreg [dreg:$0x7]  }
0x53: {  	[tilespmem:s12], [sflag:$0x2] =	stream.strided.gather [hbm4b:s6+s29], $0x200, s30, s29, $0x38;
	[tilespmem:$0x6A00] =	vst v63  }
0x54: {  	s0 =	rddreg [dreg:$0x8]  }
0x55: {  	[tilespmem:s13], [sflag:$0x2] =	stream.strided.gather [hbm4b:s0+s29], $0x200, s30, s29, $0x38;
	[tilespmem:$0x6A00] =	vst v63  }
0x56: {  	s2 =	rddreg [dreg:$0x9]  }
0x57: {  	[tilespmem:s14], [sflag:$0x2] =	stream.strided.gather [hbm4b:s2+s29], $0x200, s30, s29, $0x38;
	[tilespmem:$0x6A00] =	vst v63  }
0x58: {  	s3 =	rddreg [dreg:$0xa]  }
0x59: {  	[tilespmem:s15], [sflag:$0x2] =	stream.strided.gather [hbm4b:s3+s29], $0x200, s30, s29, $0x38;
	[tilespmem:$0x6A00] =	vst v63  }
0x5a: {  	s6 =	rddreg [dreg:$0xb]  }
0x5b: {  	[tilespmem:s16], [sflag:$0x2] =	stream.strided.gather [hbm4b:s6+s29], $0x200, s30, s29, $0x38;
	[tilespmem:$0x6A00] =	vst v63  }
0x5c: {  	s0 =	rddreg [dreg:$0xc]  }
0x5d: {  	[tilespmem:s17], [sflag:$0x2] =	stream.strided.gather [hbm4b:s0+s29], $0x200, s30, s29, $0x38;
	[tilespmem:$0x6A00] =	vst v63  }
0x5e: {  	s2 =	rddreg [dreg:$0xd]  }
0x5f: {  	[tilespmem:s18], [sflag:$0x2] =	stream.strided.gather [hbm4b:s2+s29], $0x200, s30, s29, $0x38;
	[tilespmem:$0x6A00] =	vst v63  }
0x60: {  	s3 =	rddreg [dreg:$0xe]  }
0x61: {  	[tilespmem:s19], [sflag:$0x2] =	stream.strided.gather [hbm4b:s3+s29], $0x200, s30, s29, $0x38;
	[tilespmem:$0x6A00] =	vst v63  }
0x62: {  	s6 =	rddreg [dreg:$0xf]  }
0x63: {  	[tilespmem:s20], [sflag:$0x2] =	stream.strided.gather [hbm4b:s6+s29], $0x200, s30, s29, $0x38;
	[tilespmem:$0x6A00] =	vst v63  }
0x64: {  	s0 =	rddreg [dreg:$0x10]  }
0x65: {  	[tilespmem:s21], [sflag:$0x2] =	stream.strided.gather [hbm4b:s0+s29], $0x200, s30, s29, $0x38;
	[tilespmem:$0x6A00] =	vst v63  }
0x66: {  	s2 =	rddreg [dreg:$0x11]  }
0x67: {  	[tilespmem:s22], [sflag:$0x2] =	stream.strided.gather [hbm4b:s2+s29], $0x200, s30, s29, $0x38;
	[tilespmem:$0x6A00] =	vst v63  }
0x68: {  	s3 =	rddreg [dreg:$0x12];
	s2 =	simm.s32 $0x2800  }
0x69: {  	[tilespmem:s2], [sflag:$0x2] =	stream.strided.gather [hbm4b:s3+s29], $0x200, s30, s29, $0x38;
	[tilespmem:$0x6A00] =	vst v63  }
0x6a: {  	s6 =	rddreg [dreg:$0x13]  }
0x6b: {  	[tilespmem:s23], [sflag:$0x2] =	stream.strided.gather [hbm4b:s6+s29], $0x200, s30, s29, $0x38;
	[tilespmem:$0x6A00] =	vst v63  }
0x6c: {  	s0 =	rddreg [dreg:$0x14]  }
0x6d: {  	[tilespmem:s25], [sflag:$0x2] =	stream.strided.gather [hbm4b:s0+s29], $0x200, s30, s29, $0x38;
	[tilespmem:$0x6A00] =	vst v63  }
0x6e: {  	s3 =	rddreg [dreg:$0x15]  }
0x6f: {  	[tilespmem:s4], [sflag:$0x2] =	stream.strided.gather [hbm4b:s3+s29], $0x200, s30, s29, $0x38;
	[tilespmem:$0x6A00] =	vst v63  }
0x70: {  	s6 =	rddreg [dreg:$0x16];
	s3 =	simm.s32 $0x3000  }
0x71: {  	[tilespmem:s3], [sflag:$0x2] =	stream.strided.gather [hbm4b:s6+s29], $0x200, s30, s29, $0x38;
	[tilespmem:$0x6A00] =	vst v63  }
0x72: {  	s5 =	rddreg [dreg:$0x17];
	s6 =	simm.s32 $0x3200  }
0x73: {  	[tilespmem:s6], [sflag:$0x2] =	stream.strided.gather [hbm4b:s5+s29], $0x200, s30, s29, $0x38;
	[tilespmem:$0x6A00] =	vst v63  }
0x74: {  	_ =	swait.ge [sflag:s1], $0x200  }
0x75: {  	[sflag:s1] =	ssyncset.done $0x0  }
0x76: {  	[sflag:s1] =	ssyncadd.s32 $0xFFFFFE00  }
0x77: {  	s0 =	simm.s32 $0x0;
	s5 =	simm.s32 $0x3400;
	s6 =	rddreg [dreg:$0x1]  }
0x78: {  	[tilespmem:s5], [sflag:$0x1] =	stream.indirect.gather [hbm4b:s6+s31], $0x1, s0, s31, $0xb8;
	[tilespmem:$0x6A00] =	vst v63  }
0x79: {  	_ =	swait.ge [sflag:s1], $0x200  }
0x7a: {  	[sflag:s1] =	ssyncset.done $0x0  }
0x7b: {  	s0 =	simm.s32 $0x3600;
	s6 =	rddreg [dreg:$0x18];
	[sflag:s1] =	ssyncadd.s32 $0xFFFFFE00  }
0x7c: {  	[tilespmem:s0], [sflag:$0x1] =	stream.indirect.gather [hbm4b:s6+s31], $0x1, s31, s31, $0xb8;
	[tilespmem:$0x6A00] =	vst v63  }
0x7d: {  	_ =	swait.ge [sflag:s1], $0x200  }
0x7e: {  	[sflag:s1] =	ssyncset.done $0x0  }
0x7f: {  	s0 =	simm.s32 $0x3800;
	s6 =	rddreg [dreg:$0x19];
	[sflag:s1] =	ssyncadd.s32 $0xFFFFFE00  }
0x80: {  	[tilespmem:s0], [sflag:$0x1] =	stream.indirect.gather [hbm4b:s6+s31], $0x1, s30, s31, $0xb8;
	[tilespmem:$0x6A00] =	vst v63  }
0x81: {  	_ =	swait.ge [sflag:s1], $0x200  }
0x82: {  	[sflag:s1] =	ssyncset.done $0x0  }
0x83: {  	s0 =	simm.s32 $0x3A00;
	s6 =	rddreg [dreg:$0x1a];
	[sflag:s1] =	ssyncadd.s32 $0xFFFFFE00  }
0x84: {  	[tilespmem:s0], [sflag:$0x1] =	stream.indirect.gather [hbm4b:s6+s31], $0x1, s7, s31, $0xb8;
	[tilespmem:$0x6A00] =	vst v63  }
0x85: {  	_ =	swait.ge [sflag:s1], $0x200  }
0x86: {  	[sflag:s1] =	ssyncset.done $0x0  }
0x87: {  	s7 =	simm.s32 $0x3C00;
	s0 =	rddreg [dreg:$0x1b];
	[sflag:s1] =	ssyncadd.s32 $0xFFFFFE00  }
0x88: {  	[tilespmem:s7], [sflag:$0x1] =	stream.indirect.gather [hbm4b:s0+s31], $0x1, s28, s31, $0xb8;
	[tilespmem:$0x6A00] =	vst v63  }
0x89: {  	_ =	swait.ge [sflag:s1], $0x200  }
0x8a: {  	[sflag:s1] =	ssyncset.done $0x0  }
0x8b: {  	s7 =	simm.s32 $0x3E00;
	s0 =	rddreg [dreg:$0x1c];
	[sflag:s1] =	ssyncadd.s32 $0xFFFFFE00  }
0x8c: {  	[tilespmem:s7], [sflag:$0x1] =	stream.indirect.gather [hbm4b:s0+s31], $0x1, s8, s31, $0xb8;
	[tilespmem:$0x6A00] =	vst v63  }
0x8d: {  	_ =	swait.ge [sflag:s1], $0x200  }
0x8e: {  	[sflag:s1] =	ssyncset.done $0x0  }
0x8f: {  	s7 =	simm.s32 $0x4000;
	s0 =	rddreg [dreg:$0x1d];
	[sflag:s1] =	ssyncadd.s32 $0xFFFFFE00  }
0x90: {  	[tilespmem:s7], [sflag:$0x1] =	stream.indirect.gather [hbm4b:s0+s31], $0x1, s9, s31, $0xb8;
	[tilespmem:$0x6A00] =	vst v63  }
0x91: {  	_ =	swait.ge [sflag:s1], $0x200  }
0x92: {  	[sflag:s1] =	ssyncset.done $0x0  }
0x93: {  	s7 =	simm.s32 $0x4200;
	s0 =	rddreg [dreg:$0x1e];
	[sflag:s1] =	ssyncadd.s32 $0xFFFFFE00  }
0x94: {  	[tilespmem:s7], [sflag:$0x1] =	stream.indirect.gather [hbm4b:s0+s31], $0x1, s10, s31, $0xb8;
	[tilespmem:$0x6A00] =	vst v63  }
0x95: {  	_ =	swait.ge [sflag:s1], $0x200  }
0x96: {  	[sflag:s1] =	ssyncset.done $0x0  }
0x97: {  	s7 =	simm.s32 $0x4400;
	s0 =	rddreg [dreg:$0x1f];
	[sflag:s1] =	ssyncadd.s32 $0xFFFFFE00  }
0x98: {  	[tilespmem:s7], [sflag:$0x1] =	stream.indirect.gather [hbm4b:s0+s31], $0x1, s11, s31, $0xb8;
	[tilespmem:$0x6A00] =	vst v63  }
0x99: {  	_ =	swait.ge [sflag:s1], $0x200  }
0x9a: {  	s0 =	sld [smem:$0x7E5]  }
0x9b: {  	[sflag:s1] =	ssyncset.done $0x0  }
0x9c: {  	s7 =	simm.s32 $0x4600;
	[sflag:s1] =	ssyncadd.s32 $0xFFFFFE00  }
0x9d: {  	[tilespmem:s7], [sflag:$0x1] =	stream.indirect.gather [hbm4b:s0+s31], $0x1, s12, s31, $0xb8;
	[tilespmem:$0x6A00] =	vst v63  }
0x9e: {  	_ =	swait.ge [sflag:s1], $0x200  }
0x9f: {  	s0 =	sld [smem:$0x7E6]  }
0xa0: {  	[sflag:s1] =	ssyncset.done $0x0  }
0xa1: {  	s7 =	simm.s32 $0x4800;
	[sflag:s1] =	ssyncadd.s32 $0xFFFFFE00  }
0xa2: {  	[tilespmem:s7], [sflag:$0x1] =	stream.indirect.gather [hbm4b:s0+s31], $0x1, s13, s31, $0xb8;
	[tilespmem:$0x6A00] =	vst v63  }
0xa3: {  	_ =	swait.ge [sflag:s1], $0x200  }
0xa4: {  	s0 =	sld [smem:$0x7E8]  }
0xa5: {  	[sflag:s1] =	ssyncset.done $0x0  }
0xa6: {  	s7 =	simm.s32 $0x4A00;
	[sflag:s1] =	ssyncadd.s32 $0xFFFFFE00  }
0xa7: {  	[tilespmem:s7], [sflag:$0x1] =	stream.indirect.gather [hbm4b:s0+s31], $0x1, s14, s31, $0xb8;
	[tilespmem:$0x6A00] =	vst v63  }
0xa8: {  	_ =	swait.ge [sflag:s1], $0x200  }
0xa9: {  	s0 =	sld [smem:$0x7E9]  }
0xaa: {  	[sflag:s1] =	ssyncset.done $0x0  }
0xab: {  	s7 =	simm.s32 $0x4C00;
	[sflag:s1] =	ssyncadd.s32 $0xFFFFFE00  }
0xac: {  	[tilespmem:s7], [sflag:$0x1] =	stream.indirect.gather [hbm4b:s0+s31], $0x1, s15, s31, $0xb8;
	[tilespmem:$0x6A00] =	vst v63  }
0xad: {  	_ =	swait.ge [sflag:s1], $0x200  }
0xae: {  	s0 =	sld [smem:$0x7EB]  }
0xaf: {  	[sflag:s1] =	ssyncset.done $0x0  }
0xb0: {  	s7 =	simm.s32 $0x4E00;
	[sflag:s1] =	ssyncadd.s32 $0xFFFFFE00  }
0xb1: {  	[tilespmem:s7], [sflag:$0x1] =	stream.indirect.gather [hbm4b:s0+s31], $0x1, s16, s31, $0xb8;
	[tilespmem:$0x6A00] =	vst v63  }
0xb2: {  	_ =	swait.ge [sflag:s1], $0x200  }
0xb3: {  	s0 =	sld [smem:$0x7EC]  }
0xb4: {  	[sflag:s1] =	ssyncset.done $0x0  }
0xb5: {  	s7 =	simm.s32 $0x5000;
	[sflag:s1] =	ssyncadd.s32 $0xFFFFFE00  }
0xb6: {  	[tilespmem:s7], [sflag:$0x1] =	stream.indirect.gather [hbm4b:s0+s31], $0x1, s17, s31, $0xb8;
	[tilespmem:$0x6A00] =	vst v63  }
0xb7: {  	_ =	swait.ge [sflag:s1], $0x200  }
0xb8: {  	s0 =	sld [smem:$0x7EE]  }
0xb9: {  	[sflag:s1] =	ssyncset.done $0x0  }
0xba: {  	s7 =	simm.s32 $0x5200;
	[sflag:s1] =	ssyncadd.s32 $0xFFFFFE00  }
0xbb: {  	[tilespmem:s7], [sflag:$0x1] =	stream.indirect.gather [hbm4b:s0+s31], $0x1, s18, s31, $0xb8;
	[tilespmem:$0x6A00] =	vst v63  }
0xbc: {  	_ =	swait.ge [sflag:s1], $0x200  }
0xbd: {  	s0 =	sld [smem:$0x7EF]  }
0xbe: {  	[sflag:s1] =	ssyncset.done $0x0  }
0xbf: {  	s7 =	simm.s32 $0x5400;
	[sflag:s1] =	ssyncadd.s32 $0xFFFFFE00  }
0xc0: {  	[tilespmem:s7], [sflag:$0x1] =	stream.indirect.gather [hbm4b:s0+s31], $0x1, s19, s31, $0xb8;
	[tilespmem:$0x6A00] =	vst v63  }
0xc1: {  	_ =	swait.ge [sflag:s1], $0x200  }
0xc2: {  	s0 =	sld [smem:$0x7F1]  }
0xc3: {  	[sflag:s1] =	ssyncset.done $0x0  }
0xc4: {  	s7 =	simm.s32 $0x5600;
	[sflag:s1] =	ssyncadd.s32 $0xFFFFFE00  }
0xc5: {  	[tilespmem:s7], [sflag:$0x1] =	stream.indirect.gather [hbm4b:s0+s31], $0x1, s20, s31, $0xb8;
	[tilespmem:$0x6A00] =	vst v63  }
0xc6: {  	_ =	swait.ge [sflag:s1], $0x200  }
0xc7: {  	s0 =	sld [smem:$0x7F2]  }
0xc8: {  	[sflag:s1] =	ssyncset.done $0x0  }
0xc9: {  	s7 =	simm.s32 $0x5800;
	[sflag:s1] =	ssyncadd.s32 $0xFFFFFE00  }
0xca: {  	[tilespmem:s7], [sflag:$0x1] =	stream.indirect.gather [hbm4b:s0+s31], $0x1, s21, s31, $0xb8;
	[tilespmem:$0x6A00] =	vst v63  }
0xcb: {  	_ =	swait.ge [sflag:s1], $0x200  }
0xcc: {  	s0 =	sld [smem:$0x7F4]  }
0xcd: {  	[sflag:s1] =	ssyncset.done $0x0  }
0xce: {  	s7 =	simm.s32 $0x5A00;
	[sflag:s1] =	ssyncadd.s32 $0xFFFFFE00  }
0xcf: {  	[tilespmem:s7], [sflag:$0x1] =	stream.indirect.gather [hbm4b:s0+s31], $0x1, s22, s31, $0xb8;
	[tilespmem:$0x6A00] =	vst v63  }
0xd0: {  	_ =	swait.ge [sflag:s1], $0x200  }
0xd1: {  	s0 =	sld [smem:$0x7F5]  }
0xd2: {  	[sflag:s1] =	ssyncset.done $0x0  }
0xd3: {  	s7 =	simm.s32 $0x5C00;
	[sflag:s1] =	ssyncadd.s32 $0xFFFFFE00  }
0xd4: {  	[tilespmem:s7], [sflag:$0x1] =	stream.indirect.gather [hbm4b:s0+s31], $0x1, s2, s31, $0xb8;
	[tilespmem:$0x6A00] =	vst v63  }
0xd5: {  	_ =	swait.ge [sflag:s1], $0x200  }
0xd6: {  	s2 =	sld [smem:$0x7F7]  }
0xd7: {  	[sflag:s1] =	ssyncset.done $0x0  }
0xd8: {  	s7 =	simm.s32 $0x5E00;
	[sflag:s1] =	ssyncadd.s32 $0xFFFFFE00  }
0xd9: {  	[tilespmem:s7], [sflag:$0x1] =	stream.indirect.gather [hbm4b:s2+s31], $0x1, s23, s31, $0xb8;
	[tilespmem:$0x6A00] =	vst v63  }
0xda: {  	_ =	swait.ge [sflag:s1], $0x200  }
0xdb: {  	s2 =	sld [smem:$0x7F8]  }
0xdc: {  	[sflag:s1] =	ssyncset.done $0x0  }
0xdd: {  	s7 =	simm.s32 $0x6000;
	[sflag:s1] =	ssyncadd.s32 $0xFFFFFE00  }
0xde: {  	[tilespmem:s7], [sflag:$0x1] =	stream.indirect.gather [hbm4b:s2+s31], $0x1, s25, s31, $0xb8;
	[tilespmem:$0x6A00] =	vst v63  }
0xdf: {  	_ =	swait.ge [sflag:s1], $0x200  }
0xe0: {  	s2 =	sld [smem:$0x7FB]  }
0xe1: {  	[sflag:s1] =	ssyncset.done $0x0  }
0xe2: {  	s7 =	simm.s32 $0x6200;
	[sflag:s1] =	ssyncadd.s32 $0xFFFFFE00  }
0xe3: {  	[tilespmem:s7], [sflag:$0x1] =	stream.indirect.gather [hbm4b:s2+s31], $0x1, s4, s31, $0xb8;
	[tilespmem:$0x6A00] =	vst v63  }
0xe4: {  	_ =	swait.ge [sflag:s1], $0x200  }
0xe5: {  	s2 =	sld [smem:$0x7FC]  }
0xe6: {  	[sflag:s1] =	ssyncset.done $0x0  }
0xe7: {  	s7 =	simm.s32 $0x6400;
	[sflag:s1] =	ssyncadd.s32 $0xFFFFFE00  }
0xe8: {  	[tilespmem:s7], [sflag:$0x1] =	stream.indirect.gather [hbm4b:s2+s31], $0x1, s3, s31, $0xb8;
	[tilespmem:$0x6A00] =	vst v63  }
0xe9: {  	_ =	swait.ge [sflag:s1], $0x200  }
0xea: {  	s2 =	sld [smem:$0x7FD]  }
0xeb: {  	[sflag:s1] =	ssyncset.done $0x0  }
0xec: {  	s3 =	simm.s32 $0x6600;
	s7 =	simm.s32 $0x3200;
	[sflag:s1] =	ssyncadd.s32 $0xFFFFFE00  }
0xed: {  	[tilespmem:s3], [sflag:$0x1] =	stream.indirect.gather [hbm4b:s2+s31], $0x1, s7, s31, $0xb8;
	[tilespmem:$0x6A00] =	vst v63  }
0xee: {  	_ =	swait.ge [sflag:s24], $0x200  }
0xef: {  	[sflag:s24] =	ssyncset.done $0x0  }
0xf0: {  	[sflag:s24] =	ssyncadd.s32 $0xFFFFFE00  }
0xf1: {  	_ =	swait.ge [sflag:s24], $0x200  }
0xf2: {  	[sflag:s24] =	ssyncset.done $0x0  }
0xf3: {  	[sflag:s24] =	ssyncadd.s32 $0xFFFFFE00  }
0xf4: {  	_ =	swait.ge [sflag:s24], $0x200  }
0xf5: {  	[sflag:s24] =	ssyncset.done $0x0  }
0xf6: {  	[sflag:s24] =	ssyncadd.s32 $0xFFFFFE00  }
0xf7: {  	_ =	swait.ge [sflag:s24], $0x200  }
0xf8: {  	[sflag:s24] =	ssyncset.done $0x0  }
0xf9: {  	[sflag:s24] =	ssyncadd.s32 $0xFFFFFE00  }
0xfa: {  	_ =	swait.ge [sflag:s24], $0x200  }
0xfb: {  	[sflag:s24] =	ssyncset.done $0x0  }
0xfc: {  	[sflag:s24] =	ssyncadd.s32 $0xFFFFFE00  }
0xfd: {  	_ =	swait.ge [sflag:s24], $0x200  }
0xfe: {  	[sflag:s24] =	ssyncset.done $0x0  }
0xff: {  	[sflag:s24] =	ssyncadd.s32 $0xFFFFFE00  }
0x100: {  	_ =	swait.ge [sflag:s24], $0x200  }
0x101: {  	[sflag:s24] =	ssyncset.done $0x0  }
0x102: {  	[sflag:s24] =	ssyncadd.s32 $0xFFFFFE00  }
0x103: {  	_ =	swait.ge [sflag:s24], $0x200  }
0x104: {  	[sflag:s24] =	ssyncset.done $0x0  }
0x105: {  	[sflag:s24] =	ssyncadd.s32 $0xFFFFFE00  }
0x106: {  	_ =	swait.ge [sflag:s24], $0x200  }
0x107: {  	[sflag:s24] =	ssyncset.done $0x0  }
0x108: {  	[sflag:s24] =	ssyncadd.s32 $0xFFFFFE00  }
0x109: {  	_ =	swait.ge [sflag:s24], $0x200  }
0x10a: {  	[sflag:s24] =	ssyncset.done $0x0  }
0x10b: {  	[sflag:s24] =	ssyncadd.s32 $0xFFFFFE00  }
0x10c: {  	_ =	swait.ge [sflag:s24], $0x200  }
0x10d: {  	[sflag:s24] =	ssyncset.done $0x0  }
0x10e: {  	[sflag:s24] =	ssyncadd.s32 $0xFFFFFE00  }
0x10f: {  	_ =	swait.ge [sflag:s24], $0x200  }
0x110: {  	[sflag:s24] =	ssyncset.done $0x0  }
0x111: {  	[sflag:s24] =	ssyncadd.s32 $0xFFFFFE00  }
0x112: {  	_ =	swait.ge [sflag:s24], $0x200  }
0x113: {  	s3 =	simm.s32 $0x0;
	[sflag:s24] =	ssyncset.done $0x0  }
0x114: {  	s2 =	sand.u32 $0x1F0, s3;
	[sflag:s24] =	ssyncadd.s32 $0xFFFFFE00  }
0x115: {  	v0 =	vld [tilespmem:s2+$0x3600]  }
0x116: {  	v1 =	vld [tilespmem:s5+$0x0];
	_ =	sdelay $0x1  }
0x117: {  	v2 =	vld [tilespmem:s2+$0x3800];
	_ =	sdelay $0x1  }
0x118: {  	v3 =	vld [tilespmem:s2+$0x3A00]  }
0x119: {  	v0 =	vadd.f32 v0, v1  }
0x11a: {  	v1 =	vld [tilespmem:s2+$0x3C00]  }
0x11b: {  	v0 =	vadd.f32 v2, v0  }
0x11c: {  	v2 =	vld [tilespmem:s2+$0x3E00]  }
0x11d: {  	v0 =	vadd.f32 v3, v0  }
0x11e: {  	v3 =	vld [tilespmem:s2+$0x4000]  }
0x11f: {  	v0 =	vadd.f32 v1, v0  }
0x120: {  	v1 =	vld [tilespmem:s2+$0x4200]  }
0x121: {  	v0 =	vadd.f32 v2, v0  }
0x122: {  	v2 =	vld [tilespmem:s2+$0x4400]  }
0x123: {  	v0 =	vadd.f32 v3, v0  }
0x124: {  	v3 =	vld [tilespmem:s2+$0x4600]  }
0x125: {  	v0 =	vadd.f32 v1, v0  }
0x126: {  	v1 =	vld [tilespmem:s2+$0x4800]  }
0x127: {  	v0 =	vadd.f32 v2, v0  }
0x128: {  	v2 =	vld [tilespmem:s2+$0x4A00]  }
0x129: {  	v0 =	vadd.f32 v3, v0  }
0x12a: {  	v3 =	vld [tilespmem:s2+$0x4C00]  }
0x12b: {  	v0 =	vadd.f32 v1, v0;
	_ =	sdelay $0x1  }
0x12c: {  	v0 =	vadd.f32 v2, v0;
	_ =	sdelay $0x1  }
0x12d: {  	v0 =	vadd.f32 v3, v0  }
0x12e: {  	s0 =	simm.s32 $0x6800;
	s7 =	simm.s32 $0x10  }
0x12f: {  	s28 =	sand.u32 $0x1F0, s7;
	[tilespmem:s0+$0x0] =	vst v0  }
0x130: {  	s6 =	simm.s32 $0x3410;
	s7 =	simm.s32 $0x20;
	s5 =	simm.s32 $0x6800;
	v0 =	vld [tilespmem:s28+$0x3600]  }
.LBB2_2:
0x131: {  	p0 =	sne.s32 s7, $0x1F0;
	v1 =	vld [tilespmem:s6+$0x0];
	_ =	sdelay $0x1  }
0x132: {  	v2 =	vld [tilespmem:s28+$0x3800];
	_ =	sdelay $0x1  }
0x133: {  	v3 =	vld [tilespmem:s28+$0x3A00]  }
0x134: {  	v0 =	vadd.f32 v0, v1  }
0x135: {  	v1 =	vld [tilespmem:s28+$0x3C00]  }
0x136: {  	v0 =	vadd.f32 v2, v0  }
0x137: {  	v2 =	vld [tilespmem:s28+$0x3E00]  }
0x138: {  	v0 =	vadd.f32 v3, v0  }
0x139: {  	v3 =	vld [tilespmem:s28+$0x4000]  }
0x13a: {  	v0 =	vadd.f32 v1, v0  }
0x13b: {  	v1 =	vld [tilespmem:s28+$0x4200]  }
0x13c: {  	v0 =	vadd.f32 v2, v0  }
0x13d: {  	v2 =	vld [tilespmem:s28+$0x4400]  }
0x13e: {  	v0 =	vadd.f32 v3, v0  }
0x13f: {  	v3 =	vld [tilespmem:s28+$0x4600]  }
0x140: {  	v0 =	vadd.f32 v1, v0  }
0x141: {  	v1 =	vld [tilespmem:s28+$0x4800]  }
0x142: {  	v0 =	vadd.f32 v2, v0  }
0x143: {  	v2 =	vld [tilespmem:s28+$0x4A00]  }
0x144: {  	v0 =	vadd.f32 v3, v0  }
0x145: {  	v3 =	vld [tilespmem:s28+$0x4C00]  }
0x146: {  	v0 =	vadd.f32 v1, v0;
	_ =	sdelay $0x1  }
0x147: {  	v0 =	vadd.f32 v2, v0  }
.Ltmp0:
0x148: {  	(pc) =	sbr.rel @p0 .LBB2_2-.Ltmp0, $4  }
0x149: {  	v0 =	vadd.f32 v3, v0  }
0x14a: {  	s5 =	sadd.s32 $0x10, s5  }
0x14b: {  	s28 =	sand.u32 $0x1F0, s7;
	[tilespmem:s5+$0x0] =	vst v0  }
0x14c: {  	s6 =	sadd.s32 $0x10, s6;
	s7 =	sadd.s32 $0x10, s7;
	v0 =	vld [tilespmem:s28+$0x3600]  }
0x14d: {  	v1 =	vld [tilespmem:s6+$0x0];
	_ =	sdelay $0x1  }
0x14e: {  	v2 =	vld [tilespmem:s28+$0x3800];
	_ =	sdelay $0x1  }
0x14f: {  	v3 =	vld [tilespmem:s28+$0x3A00]  }
0x150: {  	v0 =	vadd.f32 v0, v1  }
0x151: {  	v1 =	vld [tilespmem:s28+$0x3C00]  }
0x152: {  	v0 =	vadd.f32 v2, v0  }
0x153: {  	v2 =	vld [tilespmem:s28+$0x3E00]  }
0x154: {  	v0 =	vadd.f32 v3, v0  }
0x155: {  	v3 =	vld [tilespmem:s28+$0x4000]  }
0x156: {  	v0 =	vadd.f32 v1, v0  }
0x157: {  	v1 =	vld [tilespmem:s28+$0x4200]  }
0x158: {  	v0 =	vadd.f32 v2, v0  }
0x159: {  	v2 =	vld [tilespmem:s28+$0x4400]  }
0x15a: {  	v0 =	vadd.f32 v3, v0  }
0x15b: {  	v3 =	vld [tilespmem:s28+$0x4600]  }
0x15c: {  	v0 =	vadd.f32 v1, v0  }
0x15d: {  	v1 =	vld [tilespmem:s28+$0x4800]  }
0x15e: {  	v0 =	vadd.f32 v2, v0  }
0x15f: {  	v2 =	vld [tilespmem:s28+$0x4A00]  }
0x160: {  	v0 =	vadd.f32 v3, v0  }
0x161: {  	v3 =	vld [tilespmem:s28+$0x4C00]  }
0x162: {  	v0 =	vadd.f32 v1, v0;
	_ =	sdelay $0x1  }
0x163: {  	v0 =	vadd.f32 v2, v0;
	_ =	sdelay $0x1  }
0x164: {  	v0 =	vadd.f32 v3, v0  }
0x165: {  	s5 =	sadd.s32 $0x10, s5  }
0x166: {  	[tilespmem:s5+$0x0] =	vst v0  }
0x167: {  	_ =	swait.ge [sflag:s24], $0x200  }
0x168: {  	[sflag:s24] =	ssyncset.done $0x0  }
0x169: {  	[sflag:s24] =	ssyncadd.s32 $0xFFFFFE00  }
0x16a: {  	_ =	swait.ge [sflag:s24], $0x200  }
0x16b: {  	[sflag:s24] =	ssyncset.done $0x0  }
0x16c: {  	[sflag:s24] =	ssyncadd.s32 $0xFFFFFE00  }
0x16d: {  	_ =	swait.ge [sflag:s24], $0x200  }
0x16e: {  	[sflag:s24] =	ssyncset.done $0x0  }
0x16f: {  	[sflag:s24] =	ssyncadd.s32 $0xFFFFFE00  }
0x170: {  	_ =	swait.ge [sflag:s24], $0x200  }
0x171: {  	[sflag:s24] =	ssyncset.done $0x0  }
0x172: {  	[sflag:s24] =	ssyncadd.s32 $0xFFFFFE00  }
0x173: {  	_ =	swait.ge [sflag:s24], $0x200  }
0x174: {  	[sflag:s24] =	ssyncset.done $0x0  }
0x175: {  	[sflag:s24] =	ssyncadd.s32 $0xFFFFFE00  }
0x176: {  	_ =	swait.ge [sflag:s24], $0x200  }
0x177: {  	[sflag:s24] =	ssyncset.done $0x0  }
0x178: {  	[sflag:s24] =	ssyncadd.s32 $0xFFFFFE00  }
0x179: {  	_ =	swait.ge [sflag:s24], $0x200  }
0x17a: {  	[sflag:s24] =	ssyncset.done $0x0  }
0x17b: {  	[sflag:s24] =	ssyncadd.s32 $0xFFFFFE00  }
0x17c: {  	_ =	swait.ge [sflag:s24], $0x200  }
0x17d: {  	[sflag:s24] =	ssyncset.done $0x0  }
0x17e: {  	[sflag:s24] =	ssyncadd.s32 $0xFFFFFE00  }
0x17f: {  	_ =	swait.ge [sflag:s24], $0x200  }
0x180: {  	[sflag:s24] =	ssyncset.done $0x0  }
0x181: {  	[sflag:s24] =	ssyncadd.s32 $0xFFFFFE00  }
0x182: {  	_ =	swait.ge [sflag:s24], $0x200  }
0x183: {  	[sflag:s24] =	ssyncset.done $0x0  }
0x184: {  	[sflag:s24] =	ssyncadd.s32 $0xFFFFFE00  }
0x185: {  	_ =	swait.ge [sflag:s24], $0x200  }
0x186: {  	[sflag:s24] =	ssyncset.done $0x0  }
0x187: {  	[sflag:s24] =	ssyncadd.s32 $0xFFFFFE00  }
0x188: {  	_ =	swait.ge [sflag:s24], $0x200  }
0x189: {  	[sflag:s24] =	ssyncset.done $0x0  }
0x18a: {  	[sflag:s24] =	ssyncadd.s32 $0xFFFFFE00  }
0x18b: {  	_ =	swait.ge [sflag:s24], $0x200  }
0x18c: {  	s7 =	simm.s32 $0x0;
	[sflag:s24] =	ssyncset.done $0x0  }
0x18d: {  	s28 =	sand.u32 $0x1F0, s7;
	[sflag:s24] =	ssyncadd.s32 $0xFFFFFE00  }
0x18e: {  	s6 =	simm.s32 $0x10;
	s5 =	simm.s32 $0x6800;
	v0 =	vld [tilespmem:s28+$0x4E00]  }
.LBB2_4:
0x18f: {  	p0 =	sne.s32 s6, $0x1F0;
	v1 =	vld [tilespmem:s5+$0x0];
	_ =	sdelay $0x1  }
0x190: {  	v2 =	vld [tilespmem:s28+$0x5000];
	_ =	sdelay $0x1  }
0x191: {  	v3 =	vld [tilespmem:s28+$0x5200]  }
0x192: {  	v0 =	vadd.f32 v0, v1  }
0x193: {  	v1 =	vld [tilespmem:s28+$0x5400]  }
0x194: {  	v0 =	vadd.f32 v2, v0  }
0x195: {  	v2 =	vld [tilespmem:s28+$0x5600]  }
0x196: {  	v0 =	vadd.f32 v3, v0  }
0x197: {  	v3 =	vld [tilespmem:s28+$0x5800]  }
0x198: {  	v0 =	vadd.f32 v1, v0  }
0x199: {  	v1 =	vld [tilespmem:s28+$0x5A00]  }
0x19a: {  	v0 =	vadd.f32 v2, v0  }
0x19b: {  	v2 =	vld [tilespmem:s28+$0x5C00]  }
0x19c: {  	v0 =	vadd.f32 v3, v0  }
0x19d: {  	v3 =	vld [tilespmem:s28+$0x5E00]  }
0x19e: {  	v0 =	vadd.f32 v1, v0  }
0x19f: {  	v1 =	vld [tilespmem:s28+$0x6000]  }
0x1a0: {  	v0 =	vadd.f32 v2, v0  }
0x1a1: {  	v2 =	vld [tilespmem:s28+$0x6200]  }
0x1a2: {  	v0 =	vadd.f32 v3, v0  }
0x1a3: {  	v3 =	vld [tilespmem:s28+$0x6400]  }
0x1a4: {  	v0 =	vadd.f32 v1, v0  }
0x1a5: {  	v1 =	vld [tilespmem:s28+$0x6600]  }
0x1a6: {  	v0 =	vadd.f32 v2, v0;
	_ =	sdelay $0x1  }
0x1a7: {  	v0 =	vadd.f32 v3, v0  }
.Ltmp1:
0x1a8: {  	(pc) =	sbr.rel @p0 .LBB2_4-.Ltmp1, $3  }
0x1a9: {  	v0 =	vadd.f32 v1, v0;
	_ =	sdelay $0x1  }
0x1aa: {  	s28 =	sand.u32 $0x1F0, s6;
	[tilespmem:s5+$0x0] =	vst v0  }
0x1ab: {  	s6 =	sadd.s32 $0x10, s6;
	s5 =	sadd.s32 $0x10, s5;
	v0 =	vld [tilespmem:s28+$0x4E00]  }
0x1ac: {  	v1 =	vld [tilespmem:s5+$0x0];
	_ =	sdelay $0x1  }
0x1ad: {  	v2 =	vld [tilespmem:s28+$0x5000];
	_ =	sdelay $0x1  }
0x1ae: {  	v3 =	vld [tilespmem:s28+$0x5200]  }
0x1af: {  	v0 =	vadd.f32 v0, v1  }
0x1b0: {  	v54 =	vld [tilespmem:s28+$0x5400]  }
0x1b1: {  	v0 =	vadd.f32 v2, v0  }
0x1b2: {  	v55 =	vld [tilespmem:s28+$0x5600]  }
0x1b3: {  	v0 =	vadd.f32 v3, v0  }
0x1b4: {  	v56 =	vld [tilespmem:s28+$0x5800]  }
0x1b5: {  	v0 =	vadd.f32 v54, v0  }
0x1b6: {  	v57 =	vld [tilespmem:s28+$0x5A00]  }
0x1b7: {  	v0 =	vadd.f32 v55, v0  }
0x1b8: {  	v58 =	vld [tilespmem:s28+$0x5C00]  }
0x1b9: {  	v0 =	vadd.f32 v56, v0  }
0x1ba: {  	v59 =	vld [tilespmem:s28+$0x5E00]  }
0x1bb: {  	v0 =	vadd.f32 v57, v0  }
0x1bc: {  	v60 =	vld [tilespmem:s28+$0x6000]  }
0x1bd: {  	v0 =	vadd.f32 v58, v0  }
0x1be: {  	v61 =	vld [tilespmem:s28+$0x6200]  }
0x1bf: {  	v0 =	vadd.f32 v59, v0  }
0x1c0: {  	v62 =	vld [tilespmem:s28+$0x6400]  }
0x1c1: {  	v0 =	vadd.f32 v60, v0  }
0x1c2: {  	v63 =	vld [tilespmem:s28+$0x6600]  }
0x1c3: {  	v0 =	vadd.f32 v61, v0;
	_ =	sdelay $0x1  }
0x1c4: {  	v0 =	vadd.f32 v62, v0;
	_ =	sdelay $0x1  }
0x1c5: {  	s6 =	sld [smem:$0x7E7];
	v0 =	vadd.f32 v63, v0;
	_ =	sdelay $0x1  }
0x1c6: {  	s7 =	simm.s32 $0x3;
	[tilespmem:s5+$0x0] =	vst v0  }
0x1c7: {  	[hbm4b:s6+s3] =	stream.linear.scatter [tilespmem:s0], [sflag:$0x3], $0x200, $0x38;
	[tilespmem:$0x6A00] =	vst v63  }
0x1c8: {  	_ =	swait.ge [sflag:s7], $0x200  }
0x1c9: {  	s28 =	sld [smem:$0x7EA];
	_ =	sdelay $0x1  }
0x1ca: {  	s26 =	sadd.s32 $0x1, s26  }
0x1cb: {  	p0 =	sne.s32 s26, s28  }
.Ltmp2:
0x1cc: {  	_ = 	snop;
	(pc) =	sbr.rel @p0 .LBB2_1-.Ltmp2, $3  }
0x1cd: {  	_ =	sdelay $0x1  }
0x1ce: {  	[sflag:s7] =	ssyncset.done $0x0  }
0x1cf: {  	[sflag:s7] =	ssyncadd.s32 $0xFFFFFE00  }
0x1d0: {  	_ =	sfence.sel $0x180000  }
0x1d1: {  	[bflag:$0x0] =	sbarrier.arrive $0xFFFF  }
0x1d2: {  	_ =	strace $0x90000047  }
0x1d3: {  	s0 =	stileid.u32;
	[bflag:$0x2] =	sbarrier.arrive $0xFFFF  }
0x1d4: {  	p0 =	sne.s32 s0, $0x0;
	s0 =	rddreg [dreg:$0x3]  }
0x1d5: {  	s0 =	sadd.s32 @!p0 $0x100000, s0  }
0x1d6: {  	[sflag:s0] =	ssyncadd.tile.s32 @!p0 $0x1;
	_ =	shalt  }
.Lfunc_end2:
_tile_overlayer_lowered:
.L_overlay_start_2:
0x1d7: {  	(tag) =	ssettag $0x2  }
0x1d8: {  	s0 =	rddreg [dreg:$0x0];
	s2 =	stileid.u32  }
0x1d9: {  	s1 =	rddreg [dreg:$0x1];
	p0 =	sne.s32 s2, $0x0  }
0x1da: {  	s3 =	rddreg [dreg:$0x2];
	[bflag:$0x3] =	sbarrier.arrive $0xFFFF;
	s2 =	simm.s32 @!p0 $0x1C03  }
0x1db: {  	[timem:s3], [sflag:s2] =	dma.local @!p0 [hbm:s0], s1  }
0x1dc: {  	s0 =	simm.s32 @!p0 $0x3  }
0x1dd: {  	_ =	swait.ge @!p0 [sflag:s0], s1  }
0x1de: {  	s1 =	ssub.s32 @!p0 $0x0, s1;
	[sflag:s0] =	ssyncset.done @!p0 $0x0  }
0x1df: {  	[sflag:s0] =	ssyncadd.s32 @!p0 s1  }
0x1e0: {  	[bflag:$0x3] =	sbarrier.arrive $0xFFFF  }
0x1e1: {  	_ =	shalt  }

</sc_bundles>
